<compile_context>
chip_gen: v7x
topology: tpu7x:2x2x1
jax: 0.10.2.dev20260603
libtpu: 0.0.44.dev20260713+nightly
codegen_flags: <defaults>
</compile_context>

<pallas_src>
import functools

import jax
import jax.numpy as jnp
from jax import lax
from jax.experimental import pallas as pl
from jax.experimental.pallas import tpu as pltpu
from jax.experimental.pallas import tpu_sc as plsc

_N = 8192
_S = 1024
_K = 64
_B = 4
_R2 = 0.2 * 0.2
_ROWS = 64
_LANES = 128

_NW = 32
_RPW = (_B * _S) // _NW


def _fps_body(xp_ref, yp_ref, zp_ref, out_ref, dist_ref):
    iota3 = (lax.broadcasted_iota(jnp.int32, (_B, _ROWS, _LANES), 1) * _LANES
             + lax.broadcasted_iota(jnp.int32, (_B, _ROWS, _LANES), 2))
    dist_ref[...] = jnp.full((_B, _ROWS, _LANES), 1e10, jnp.float32)
    c0x = xp_ref[:, 0:1, 0:1]
    c0y = yp_ref[:, 0:1, 0:1]
    c0z = zp_ref[:, 0:1, 0:1]

    def half(i_out, cx, cy, cz, dprev, xs, ys, zs):
        for b in range(_B):
            out_ref[pl.ds(i_out, 1), pl.ds(b * 4 + 0, 1)] = cx[b].reshape(1, 1)
            out_ref[pl.ds(i_out, 1), pl.ds(b * 4 + 1, 1)] = cy[b].reshape(1, 1)
            out_ref[pl.ds(i_out, 1), pl.ds(b * 4 + 2, 1)] = cz[b].reshape(1, 1)
        dx = xs - cx
        dy = ys - cy
        dz = zs - cz
        d = (dx * dx + dz * dz) + dy * dy
        dmin = jnp.minimum(dprev, d)
        mx = jnp.max(dmin, axis=(1, 2), keepdims=True)
        eqm = dmin == mx
        ncx = jnp.sum(jnp.where(eqm, xs, 0.0), axis=(1, 2), keepdims=True)
        ncy = jnp.sum(jnp.where(eqm, ys, 0.0), axis=(1, 2), keepdims=True)
        ncz = jnp.sum(jnp.where(eqm, zs, 0.0), axis=(1, 2), keepdims=True)
        nmax = jnp.sum(jnp.where(eqm, 1, 0), axis=(1, 2), keepdims=True)

        def tie_path(_):
            nf = jnp.min(jnp.where(eqm, iota3, _N), axis=(1, 2), keepdims=True)
            pm = iota3 == nf
            tx = jnp.sum(jnp.where(pm, xs, 0.0), axis=(1, 2), keepdims=True)
            ty = jnp.sum(jnp.where(pm, ys, 0.0), axis=(1, 2), keepdims=True)
            tz = jnp.sum(jnp.where(pm, zs, 0.0), axis=(1, 2), keepdims=True)
            return tx, ty, tz

        c = lax.cond(jnp.max(nmax) > 1, tie_path,
                     lambda _: (ncx, ncy, ncz), 0)
        return c[0], c[1], c[2], dmin

    def step(i, carry):
        cx, cy, cz = carry
        xs = xp_ref[...]
        ys = yp_ref[...]
        zs = zp_ref[...]
        dmin = dist_ref[...]
        for u in range(4):
            cx, cy, cz, dmin = half(4 * i + u, cx, cy, cz, dmin, xs, ys, zs)
        dist_ref[...] = dmin
        return cx, cy, cz

    lax.fori_loop(0, _S // 4, step, (c0x, c0y, c0z))


def _ballq_body(xp, yp, zp, cxp, cyp, czp, out,
                xv, yv, zv, cxv, cyv, czv, selv, outv, idxv, sem):
    cidx = lax.axis_index("c")
    sidx = lax.axis_index("s")
    wid = sidx * 2 + cidx
    b = wid // (_NW // _B)
    sub = wid % (_NW // _B)

    pltpu.sync_copy(xp.at[b], xv)
    pltpu.sync_copy(yp.at[b], yv)
    pltpu.sync_copy(zp.at[b], zv)
    pltpu.sync_copy(cxp.at[b], cxv)
    pltpu.sync_copy(cyp.at[b], cyv)
    pltpu.sync_copy(czp.at[b], czv)

    iota = lax.iota(jnp.int32, 16)
    nb = _NW // _B

    for t16 in range(_RPW // 16):
        idxv[pl.ds(t16 * 16, 16)] = (iota + t16 * 16) * nb + sub + b * _S

    def row(t, carry):
        s = t * nb + sub
        ssplat = jnp.full((16,), s, jnp.int32)
        cxj = plsc.load_gather(cxv, [ssplat])
        cyj = plsc.load_gather(cyv, [ssplat])
        czj = plsc.load_gather(czv, [ssplat])

        def cond(st):
            base, cnt = st
            return jnp.logical_and(cnt < _K, base < _N)

        def body(st):
            base, cnt = st
            ms = []
            pcs = []
            for k in range(16):
                xs = xv[pl.ds(base + k * 16, 16)]
                ys = yv[pl.ds(base + k * 16, 16)]
                zs = zv[pl.ds(base + k * 16, 16)]
                dx = xs - cxj
                dy = ys - cyj
                dz = zs - czj
                d2 = (dx * dx + dz * dz) + dy * dy
                ms.append(d2 <= _R2)
                pcs.append(plsc.all_reduce_population_count(ms[k]))
            offs = [cnt]
            s = pcs[0]
            for k in range(1, 16):
                offs.append(cnt + s[0])
                s = s + pcs[k]
            for k in range(16):
                plsc.store_compressed(selv.at[pl.ds(offs[k], 16)],
                                      iota + (base + k * 16), mask=ms[k])
            return base + 256, cnt + s[0]

        _, cnt = lax.while_loop(cond, body, (jnp.int32(0), jnp.int32(0)))
        cnt = jnp.minimum(cnt, _K)
        first = jnp.where(cnt > 0, selv[pl.ds(0, 16)][0], 0)
        tsplat = jnp.full((16,), t, jnp.int32)
        for k in range(_K // 16):
            lane = iota + (k * 16)
            sel = selv[pl.ds(k * 16, 16)]
            sel = jnp.where(lane < cnt, sel, first)
            gx = plsc.load_gather(xv, [sel]) - cxj
            gy = plsc.load_gather(yv, [sel]) - cyj
            gz = plsc.load_gather(zv, [sel]) - czj
            pos0 = lane * 3
            plsc.store_scatter(outv, [tsplat, pos0], gx)
            plsc.store_scatter(outv, [tsplat, pos0 + 1], gy)
            plsc.store_scatter(outv, [tsplat, pos0 + 2], gz)
        return carry

    lax.fori_loop(0, _RPW, row, jnp.int32(0))
    pltpu.async_copy(outv, out.at[idxv], sem).wait()


@functools.cache
def _build_ballq():
    return functools.partial(
        pl.kernel,
        out_type=jax.ShapeDtypeStruct((_B * _S, 256), jnp.float32),
        mesh=plsc.VectorSubcoreMesh(core_axis_name="c", subcore_axis_name="s"),
        compiler_params=pltpu.CompilerParams(needs_layout_passes=False),
        scratch_types=[
            pltpu.VMEM((_N,), jnp.float32),
            pltpu.VMEM((_N,), jnp.float32),
            pltpu.VMEM((_N,), jnp.float32),
            pltpu.VMEM((_S,), jnp.float32),
            pltpu.VMEM((_S,), jnp.float32),
            pltpu.VMEM((_S,), jnp.float32),
            pltpu.VMEM((336,), jnp.int32),
            pltpu.VMEM((_RPW, 256), jnp.float32),
            pltpu.VMEM((_RPW,), jnp.int32),
            pltpu.SemaphoreType.DMA,
        ],
    )(_ballq_body)


def kernel(xyz):
    xp = xyz[:, :, 0]
    yp = xyz[:, :, 1]
    zp = xyz[:, :, 2]

    cent16 = pl.pallas_call(
        _fps_body,
        out_shape=jax.ShapeDtypeStruct((_S, 16), jnp.float32),
        scratch_shapes=[pltpu.VMEM((_B, _ROWS, _LANES), jnp.float32)],
    )(xp.reshape(_B, _ROWS, _LANES),
      yp.reshape(_B, _ROWS, _LANES),
      zp.reshape(_B, _ROWS, _LANES))

    centroids = cent16.reshape(_S, 4, 4)[:, :, :3].transpose(1, 0, 2)

    flat = _build_ballq()(xp, yp, zp,
                          centroids[:, :, 0], centroids[:, :, 1],
                          centroids[:, :, 2])
    new_xyz = flat[:, :_K * 3].reshape(_B, _S, _K, 3)
    return new_xyz, centroids

# --- scband reference (transcript-rebuilt; emitter-appended) ---
"""Pipeline reference for scband-fpsball-query-module-81183471829352 (READ-ONLY COPY).

The authoritative reference and input builder live on the scoring server;
editing this copy changes nothing except your own understanding.
"""

import jax, jax.numpy as jnp
import numpy as np
from jax import lax

NUM_INPUT_POINTS = 8192
NUM_CENTROIDS = 1024
NUM_NEIGHBORS = 64
RADIUS = 0.2


def setup_inputs(seed: int = 0) -> dict:
    key = jax.random.key(seed)
    # points in the unit cube so that radius=0.2 balls are non-degenerate
    xyz = jax.random.uniform(key, (4, NUM_INPUT_POINTS, 3), dtype=jnp.float32)
    return {"xyz": xyz}


def furthest_point_sample(xyz, npoint):
    # Faithful to pointnet2 CUDA kernel: start at index 0, iteratively pick the
    # point maximizing the min-distance to the already chosen set.
    B, N, _ = xyz.shape

    def body(carry, _):
        dists, farthest = carry  # dists: [B, N] float32, farthest: [B] int32
        centroid = xyz[jnp.arange(B), farthest]  # [B, 3]
        d = jnp.sum((xyz - centroid[:, None, :]) ** 2, axis=-1)  # [B, N]
        dists = jnp.minimum(dists, d)
        new_far = jnp.argmax(dists, axis=-1).astype(jnp.int32)
        return (dists, new_far), farthest

    init = (jnp.full((B, N), 1e10, dtype=jnp.float32), jnp.zeros((B,), dtype=jnp.int32))
    _, idxs = lax.scan(body, init, None, length=npoint)  # [npoint, B]
    return jnp.transpose(idxs)  # [B, npoint]


def ball_query(radius, nsample, xyz, new_xyz):
    # For each centroid: first `nsample` point indices (ascending index order)
    # with squared distance <= radius^2, padded with the first hit (0 if none).
    B, N, _ = xyz.shape
    d2 = jnp.sum((new_xyz[:, :, None, :] - xyz[:, None, :, :]) ** 2, axis=-1)  # [B, S, N]
    mask = d2 <= radius * radius
    scores = jnp.where(mask, jnp.arange(N, dtype=jnp.int32)[None, None, :], jnp.int32(N))
    neg_vals, _ = lax.top_k(-scores, nsample)  # largest of -scores == smallest indices
    sel = -neg_vals  # [B, S, nsample], ascending
    first = sel[..., :1]
    first = jnp.where(first >= N, 0, first)  # empty ball -> index 0 (matches zero-init CUDA buffer)
    idx = jnp.where(sel >= N, first, sel)
    return idx


def _forward(xyz):
    fps_idx = furthest_point_sample(lax.stop_gradient(xyz), NUM_CENTROIDS)  # [B, S]
    # gather_operation on xyz_flipped then transpose back == gather rows of xyz
    xyz_centroids = jnp.take_along_axis(xyz, fps_idx[:, :, None], axis=1)  # [B, S, 3]
    idx = ball_query(RADIUS, NUM_NEIGHBORS, xyz, xyz_centroids)  # [B, S, nsample]
    grouped = jax.vmap(lambda pts, i: pts[i])(xyz, idx)  # [B, S, nsample, 3]
    # QueryAndGroup with use_xyz=True, features=None: grouped_xyz - new_xyz
    # (torch layout [B,3,S,ns]); final permute(0,2,3,1) -> [B, S, ns, 3]
    new_xyz = grouped - xyz_centroids[:, :, None, :]
    return new_xyz, xyz_centroids


def reference(xyz):
    return _forward(xyz)

if __name__ == "__main__":
    import jax
    _d = setup_inputs()
    print(jax.jit(kernel)(*tuple(_d.values())))

</pallas_src>

<mosaic_0001>
#map = affine_map<(d0, d1) -> (0, 0)>
module attributes {stable_mosaic.version = 14 : i64} {
  func.func @_ballq_body(%arg0: i32, %arg1: i32, %arg2: memref<4x8192xf32, #tpu.memory_space<hbm>>, %arg3: memref<4x8192xf32, #tpu.memory_space<hbm>>, %arg4: memref<4x8192xf32, #tpu.memory_space<hbm>>, %arg5: memref<4x1024xf32, #tpu.memory_space<hbm>>, %arg6: memref<4x1024xf32, #tpu.memory_space<hbm>>, %arg7: memref<4x1024xf32, #tpu.memory_space<hbm>>, %arg8: memref<4096x256xf32, #tpu.memory_space<hbm>>, %arg9: memref<8192xf32, #tpu.memory_space<vmem>>, %arg10: memref<8192xf32, #tpu.memory_space<vmem>>, %arg11: memref<8192xf32, #tpu.memory_space<vmem>>, %arg12: memref<1024xf32, #tpu.memory_space<vmem>>, %arg13: memref<1024xf32, #tpu.memory_space<vmem>>, %arg14: memref<1024xf32, #tpu.memory_space<vmem>>, %arg15: memref<336xi32, #tpu.memory_space<vmem>>, %arg16: memref<128x256xf32, #tpu.memory_space<vmem>>, %arg17: memref<128xi32, #tpu.memory_space<vmem>>, %arg18: memref<!tpu.dma_semaphore, #tpu.memory_space<semaphore_mem>>) attributes {dimension_semantics = [#tpu.dimension_semantics<core_parallel>, #tpu.dimension_semantics<subcore_parallel>], iteration_bounds = array<i64: 2, 16>, scalar_prefetch = 0 : i64, scratch_operands = 10 : i64, tpu.core_type = #tpu.core_type<sc_vector_subcore>, window_params = [{transform_indices = #map}, {transform_indices = #map}, {transform_indices = #map}, {transform_indices = #map}, {transform_indices = #map}, {transform_indices = #map}, {transform_indices = #map}]} {
    %mul3A = arith.constant 2 : i32
    %mul3A_0 = arith.muli %arg1, %mul3A : i32
    %add3A = arith.addi %mul3A_0, %arg0 : i32
    %jit3A = arith.constant 8 : i32
    %div3A = arith.divsi %add3A, %jit3A : i32
    %sign3A = arith.constant 0 : i32
    %sign3A_1 = arith.cmpi sgt, %add3A, %sign3A : i32
    %sign3A_2 = arith.extui %sign3A_1 : i1 to i32
    %sign3A_3 = arith.constant 0 : i32
    %sign3A_4 = arith.cmpi slt, %add3A, %sign3A_3 : i32
    %sign3A_5 = arith.extui %sign3A_4 : i1 to i32
    %sign3A_6 = arith.subi %sign3A_2, %sign3A_5 : i32
    %sign3A_7 = arith.constant 0 : i32
    %sign3A_8 = arith.cmpi sgt, %jit3A, %sign3A_7 : i32
    %sign3A_9 = arith.extui %sign3A_8 : i1 to i32
    %sign3A_10 = arith.constant 0 : i32
    %sign3A_11 = arith.cmpi slt, %jit3A, %sign3A_10 : i32
    %sign3A_12 = arith.extui %sign3A_11 : i1 to i32
    %sign3A_13 = arith.subi %sign3A_9, %sign3A_12 : i32
    %ne3A = arith.cmpi ne, %sign3A_6, %sign3A_13 : i32
    %rem3A = arith.remsi %add3A, %jit3A : i32
    %ne3A_14 = arith.constant 0 : i32
    %ne3A_15 = arith.cmpi ne, %rem3A, %ne3A_14 : i32
    %and3A = arith.andi %ne3A, %ne3A_15 : i1
    %sub3A = arith.constant 1 : i32
    %sub3A_16 = arith.subi %div3A, %sub3A : i32
    %select_n3A = arith.select %and3A, %sub3A_16, %div3A : i32
    %jit3A_17 = arith.constant 8 : i32
    %eq3A = arith.constant 0 : i32
    %eq3A_18 = arith.cmpi eq, %jit3A_17, %eq3A : i32
    %jit3A_19 = arith.constant 1 : i32
    %select_n3A_20 = arith.select %eq3A_18, %jit3A_19, %jit3A_17 : i32
    %rem3A_21 = arith.remsi %add3A, %select_n3A_20 : i32
    %ne3A_22 = arith.constant 0 : i32
    %ne3A_23 = arith.cmpi ne, %rem3A_21, %ne3A_22 : i32
    %lt3A = arith.constant 0 : i32
    %lt3A_24 = arith.cmpi slt, %rem3A_21, %lt3A : i32
    %lt3A_25 = arith.constant 0 : i32
    %lt3A_26 = arith.cmpi slt, %select_n3A_20, %lt3A_25 : i32
    %ne3A_27 = arith.xori %lt3A_24, %lt3A_26 : i1
    %and3A_28 = arith.andi %ne3A_27, %ne3A_23 : i1
    %add3A_29 = arith.addi %rem3A_21, %select_n3A_20 : i32
    %select_n3A_30 = arith.select %and3A_28, %add3A_29, %rem3A_21 : i32
    "tpu.region"() ({
      %run_scoped3A = tpu.sem_alloc : memref<!tpu.dma_semaphore, #tpu.memory_space<semaphore_mem>>
      %dma_start3A_151 = arith.constant 0 : i32
      %dma_start3A_152 = tpu.memref_slice %arg2[%select_n3A, %dma_start3A_151] : memref<4x8192xf32, #tpu.memory_space<hbm>> -> memref<1x8192xf32, #tpu.memory_space<hbm>>
      %dma_start3A_153 = tpu.memref_squeeze %dma_start3A_152 : memref<1x8192xf32, #tpu.memory_space<hbm>> -> memref<8192xf32, #tpu.memory_space<hbm>>
      %dma_start3A_154 = arith.constant 0 : i32
      %dma_start3A_155 = tpu.memref_slice %arg2[%select_n3A, %dma_start3A_154] : memref<4x8192xf32, #tpu.memory_space<hbm>> -> memref<1x8192xf32, #tpu.memory_space<hbm>>
      %dma_start3A_156 = tpu.memref_squeeze %dma_start3A_155 : memref<1x8192xf32, #tpu.memory_space<hbm>> -> memref<8192xf32, #tpu.memory_space<hbm>>
      tpu.enqueue_dma source(%dma_start3A_156 : memref<8192xf32, #tpu.memory_space<hbm>>) target(%arg9 : memref<8192xf32, #tpu.memory_space<vmem>>) target_semaphore(%run_scoped3A : memref<!tpu.dma_semaphore, #tpu.memory_space<semaphore_mem>>)
      %dma_wait3A_157 = arith.constant 0 : i32
      %dma_wait3A_158 = tpu.memref_slice %arg2[%select_n3A, %dma_wait3A_157] : memref<4x8192xf32, #tpu.memory_space<hbm>> -> memref<1x8192xf32, #tpu.memory_space<hbm>>
      %dma_wait3A_159 = tpu.memref_squeeze %dma_wait3A_158 : memref<1x8192xf32, #tpu.memory_space<hbm>> -> memref<8192xf32, #tpu.memory_space<hbm>>
      %dma_wait3A_160 = arith.constant 0 : i32
      %dma_wait3A_161 = tpu.memref_slice %arg2[%select_n3A, %dma_wait3A_160] : memref<4x8192xf32, #tpu.memory_space<hbm>> -> memref<1x8192xf32, #tpu.memory_space<hbm>>
      %dma_wait3A_162 = tpu.memref_squeeze %dma_wait3A_161 : memref<1x8192xf32, #tpu.memory_space<hbm>> -> memref<8192xf32, #tpu.memory_space<hbm>>
      tpu.wait_dma2 semaphore(%run_scoped3A : memref<!tpu.dma_semaphore, #tpu.memory_space<semaphore_mem>>) src(%dma_wait3A_162 : memref<8192xf32, #tpu.memory_space<hbm>>) dst(%arg9 : memref<8192xf32, #tpu.memory_space<vmem>>)
      tpu.yield
    }) : () -> ()
    "tpu.region"() ({
      %run_scoped3A = tpu.sem_alloc : memref<!tpu.dma_semaphore, #tpu.memory_space<semaphore_mem>>
      %dma_start3A_151 = arith.constant 0 : i32
      %dma_start3A_152 = tpu.memref_slice %arg3[%select_n3A, %dma_start3A_151] : memref<4x8192xf32, #tpu.memory_space<hbm>> -> memref<1x8192xf32, #tpu.memory_space<hbm>>
      %dma_start3A_153 = tpu.memref_squeeze %dma_start3A_152 : memref<1x8192xf32, #tpu.memory_space<hbm>> -> memref<8192xf32, #tpu.memory_space<hbm>>
      %dma_start3A_154 = arith.constant 0 : i32
      %dma_start3A_155 = tpu.memref_slice %arg3[%select_n3A, %dma_start3A_154] : memref<4x8192xf32, #tpu.memory_space<hbm>> -> memref<1x8192xf32, #tpu.memory_space<hbm>>
      %dma_start3A_156 = tpu.memref_squeeze %dma_start3A_155 : memref<1x8192xf32, #tpu.memory_space<hbm>> -> memref<8192xf32, #tpu.memory_space<hbm>>
      tpu.enqueue_dma source(%dma_start3A_156 : memref<8192xf32, #tpu.memory_space<hbm>>) target(%arg10 : memref<8192xf32, #tpu.memory_space<vmem>>) target_semaphore(%run_scoped3A : memref<!tpu.dma_semaphore, #tpu.memory_space<semaphore_mem>>)
      %dma_wait3A_157 = arith.constant 0 : i32
      %dma_wait3A_158 = tpu.memref_slice %arg3[%select_n3A, %dma_wait3A_157] : memref<4x8192xf32, #tpu.memory_space<hbm>> -> memref<1x8192xf32, #tpu.memory_space<hbm>>
      %dma_wait3A_159 = tpu.memref_squeeze %dma_wait3A_158 : memref<1x8192xf32, #tpu.memory_space<hbm>> -> memref<8192xf32, #tpu.memory_space<hbm>>
      %dma_wait3A_160 = arith.constant 0 : i32
      %dma_wait3A_161 = tpu.memref_slice %arg3[%select_n3A, %dma_wait3A_160] : memref<4x8192xf32, #tpu.memory_space<hbm>> -> memref<1x8192xf32, #tpu.memory_space<hbm>>
      %dma_wait3A_162 = tpu.memref_squeeze %dma_wait3A_161 : memref<1x8192xf32, #tpu.memory_space<hbm>> -> memref<8192xf32, #tpu.memory_space<hbm>>
      tpu.wait_dma2 semaphore(%run_scoped3A : memref<!tpu.dma_semaphore, #tpu.memory_space<semaphore_mem>>) src(%dma_wait3A_162 : memref<8192xf32, #tpu.memory_space<hbm>>) dst(%arg10 : memref<8192xf32, #tpu.memory_space<vmem>>)
      tpu.yield
    }) : () -> ()
    "tpu.region"() ({
      %run_scoped3A = tpu.sem_alloc : memref<!tpu.dma_semaphore, #tpu.memory_space<semaphore_mem>>
      %dma_start3A_151 = arith.constant 0 : i32
      %dma_start3A_152 = tpu.memref_slice %arg4[%select_n3A, %dma_start3A_151] : memref<4x8192xf32, #tpu.memory_space<hbm>> -> memref<1x8192xf32, #tpu.memory_space<hbm>>
      %dma_start3A_153 = tpu.memref_squeeze %dma_start3A_152 : memref<1x8192xf32, #tpu.memory_space<hbm>> -> memref<8192xf32, #tpu.memory_space<hbm>>
      %dma_start3A_154 = arith.constant 0 : i32
      %dma_start3A_155 = tpu.memref_slice %arg4[%select_n3A, %dma_start3A_154] : memref<4x8192xf32, #tpu.memory_space<hbm>> -> memref<1x8192xf32, #tpu.memory_space<hbm>>
      %dma_start3A_156 = tpu.memref_squeeze %dma_start3A_155 : memref<1x8192xf32, #tpu.memory_space<hbm>> -> memref<8192xf32, #tpu.memory_space<hbm>>
      tpu.enqueue_dma source(%dma_start3A_156 : memref<8192xf32, #tpu.memory_space<hbm>>) target(%arg11 : memref<8192xf32, #tpu.memory_space<vmem>>) target_semaphore(%run_scoped3A : memref<!tpu.dma_semaphore, #tpu.memory_space<semaphore_mem>>)
      %dma_wait3A_157 = arith.constant 0 : i32
      %dma_wait3A_158 = tpu.memref_slice %arg4[%select_n3A, %dma_wait3A_157] : memref<4x8192xf32, #tpu.memory_space<hbm>> -> memref<1x8192xf32, #tpu.memory_space<hbm>>
      %dma_wait3A_159 = tpu.memref_squeeze %dma_wait3A_158 : memref<1x8192xf32, #tpu.memory_space<hbm>> -> memref<8192xf32, #tpu.memory_space<hbm>>
      %dma_wait3A_160 = arith.constant 0 : i32
      %dma_wait3A_161 = tpu.memref_slice %arg4[%select_n3A, %dma_wait3A_160] : memref<4x8192xf32, #tpu.memory_space<hbm>> -> memref<1x8192xf32, #tpu.memory_space<hbm>>
      %dma_wait3A_162 = tpu.memref_squeeze %dma_wait3A_161 : memref<1x8192xf32, #tpu.memory_space<hbm>> -> memref<8192xf32, #tpu.memory_space<hbm>>
      tpu.wait_dma2 semaphore(%run_scoped3A : memref<!tpu.dma_semaphore, #tpu.memory_space<semaphore_mem>>) src(%dma_wait3A_162 : memref<8192xf32, #tpu.memory_space<hbm>>) dst(%arg11 : memref<8192xf32, #tpu.memory_space<vmem>>)
      tpu.yield
    }) : () -> ()
    "tpu.region"() ({
      %run_scoped3A = tpu.sem_alloc : memref<!tpu.dma_semaphore, #tpu.memory_space<semaphore_mem>>
      %dma_start3A_151 = arith.constant 0 : i32
      %dma_start3A_152 = tpu.memref_slice %arg5[%select_n3A, %dma_start3A_151] : memref<4x1024xf32, #tpu.memory_space<hbm>> -> memref<1x1024xf32, #tpu.memory_space<hbm>>
      %dma_start3A_153 = tpu.memref_squeeze %dma_start3A_152 : memref<1x1024xf32, #tpu.memory_space<hbm>> -> memref<1024xf32, #tpu.memory_space<hbm>>
      %dma_start3A_154 = arith.constant 0 : i32
      %dma_start3A_155 = tpu.memref_slice %arg5[%select_n3A, %dma_start3A_154] : memref<4x1024xf32, #tpu.memory_space<hbm>> -> memref<1x1024xf32, #tpu.memory_space<hbm>>
      %dma_start3A_156 = tpu.memref_squeeze %dma_start3A_155 : memref<1x1024xf32, #tpu.memory_space<hbm>> -> memref<1024xf32, #tpu.memory_space<hbm>>
      tpu.enqueue_dma source(%dma_start3A_156 : memref<1024xf32, #tpu.memory_space<hbm>>) target(%arg12 : memref<1024xf32, #tpu.memory_space<vmem>>) target_semaphore(%run_scoped3A : memref<!tpu.dma_semaphore, #tpu.memory_space<semaphore_mem>>)
      %dma_wait3A_157 = arith.constant 0 : i32
      %dma_wait3A_158 = tpu.memref_slice %arg5[%select_n3A, %dma_wait3A_157] : memref<4x1024xf32, #tpu.memory_space<hbm>> -> memref<1x1024xf32, #tpu.memory_space<hbm>>
      %dma_wait3A_159 = tpu.memref_squeeze %dma_wait3A_158 : memref<1x1024xf32, #tpu.memory_space<hbm>> -> memref<1024xf32, #tpu.memory_space<hbm>>
      %dma_wait3A_160 = arith.constant 0 : i32
      %dma_wait3A_161 = tpu.memref_slice %arg5[%select_n3A, %dma_wait3A_160] : memref<4x1024xf32, #tpu.memory_space<hbm>> -> memref<1x1024xf32, #tpu.memory_space<hbm>>
      %dma_wait3A_162 = tpu.memref_squeeze %dma_wait3A_161 : memref<1x1024xf32, #tpu.memory_space<hbm>> -> memref<1024xf32, #tpu.memory_space<hbm>>
      tpu.wait_dma2 semaphore(%run_scoped3A : memref<!tpu.dma_semaphore, #tpu.memory_space<semaphore_mem>>) src(%dma_wait3A_162 : memref<1024xf32, #tpu.memory_space<hbm>>) dst(%arg12 : memref<1024xf32, #tpu.memory_space<vmem>>)
      tpu.yield
    }) : () -> ()
    "tpu.region"() ({
      %run_scoped3A = tpu.sem_alloc : memref<!tpu.dma_semaphore, #tpu.memory_space<semaphore_mem>>
      %dma_start3A_151 = arith.constant 0 : i32
      %dma_start3A_152 = tpu.memref_slice %arg6[%select_n3A, %dma_start3A_151] : memref<4x1024xf32, #tpu.memory_space<hbm>> -> memref<1x1024xf32, #tpu.memory_space<hbm>>
      %dma_start3A_153 = tpu.memref_squeeze %dma_start3A_152 : memref<1x1024xf32, #tpu.memory_space<hbm>> -> memref<1024xf32, #tpu.memory_space<hbm>>
      %dma_start3A_154 = arith.constant 0 : i32
      %dma_start3A_155 = tpu.memref_slice %arg6[%select_n3A, %dma_start3A_154] : memref<4x1024xf32, #tpu.memory_space<hbm>> -> memref<1x1024xf32, #tpu.memory_space<hbm>>
      %dma_start3A_156 = tpu.memref_squeeze %dma_start3A_155 : memref<1x1024xf32, #tpu.memory_space<hbm>> -> memref<1024xf32, #tpu.memory_space<hbm>>
      tpu.enqueue_dma source(%dma_start3A_156 : memref<1024xf32, #tpu.memory_space<hbm>>) target(%arg13 : memref<1024xf32, #tpu.memory_space<vmem>>) target_semaphore(%run_scoped3A : memref<!tpu.dma_semaphore, #tpu.memory_space<semaphore_mem>>)
      %dma_wait3A_157 = arith.constant 0 : i32
      %dma_wait3A_158 = tpu.memref_slice %arg6[%select_n3A, %dma_wait3A_157] : memref<4x1024xf32, #tpu.memory_space<hbm>> -> memref<1x1024xf32, #tpu.memory_space<hbm>>
      %dma_wait3A_159 = tpu.memref_squeeze %dma_wait3A_158 : memref<1x1024xf32, #tpu.memory_space<hbm>> -> memref<1024xf32, #tpu.memory_space<hbm>>
      %dma_wait3A_160 = arith.constant 0 : i32
      %dma_wait3A_161 = tpu.memref_slice %arg6[%select_n3A, %dma_wait3A_160] : memref<4x1024xf32, #tpu.memory_space<hbm>> -> memref<1x1024xf32, #tpu.memory_space<hbm>>
      %dma_wait3A_162 = tpu.memref_squeeze %dma_wait3A_161 : memref<1x1024xf32, #tpu.memory_space<hbm>> -> memref<1024xf32, #tpu.memory_space<hbm>>
      tpu.wait_dma2 semaphore(%run_scoped3A : memref<!tpu.dma_semaphore, #tpu.memory_space<semaphore_mem>>) src(%dma_wait3A_162 : memref<1024xf32, #tpu.memory_space<hbm>>) dst(%arg13 : memref<1024xf32, #tpu.memory_space<vmem>>)
      tpu.yield
    }) : () -> ()
    "tpu.region"() ({
      %run_scoped3A = tpu.sem_alloc : memref<!tpu.dma_semaphore, #tpu.memory_space<semaphore_mem>>
      %dma_start3A_151 = arith.constant 0 : i32
      %dma_start3A_152 = tpu.memref_slice %arg7[%select_n3A, %dma_start3A_151] : memref<4x1024xf32, #tpu.memory_space<hbm>> -> memref<1x1024xf32, #tpu.memory_space<hbm>>
      %dma_start3A_153 = tpu.memref_squeeze %dma_start3A_152 : memref<1x1024xf32, #tpu.memory_space<hbm>> -> memref<1024xf32, #tpu.memory_space<hbm>>
      %dma_start3A_154 = arith.constant 0 : i32
      %dma_start3A_155 = tpu.memref_slice %arg7[%select_n3A, %dma_start3A_154] : memref<4x1024xf32, #tpu.memory_space<hbm>> -> memref<1x1024xf32, #tpu.memory_space<hbm>>
      %dma_start3A_156 = tpu.memref_squeeze %dma_start3A_155 : memref<1x1024xf32, #tpu.memory_space<hbm>> -> memref<1024xf32, #tpu.memory_space<hbm>>
      tpu.enqueue_dma source(%dma_start3A_156 : memref<1024xf32, #tpu.memory_space<hbm>>) target(%arg14 : memref<1024xf32, #tpu.memory_space<vmem>>) target_semaphore(%run_scoped3A : memref<!tpu.dma_semaphore, #tpu.memory_space<semaphore_mem>>)
      %dma_wait3A_157 = arith.constant 0 : i32
      %dma_wait3A_158 = tpu.memref_slice %arg7[%select_n3A, %dma_wait3A_157] : memref<4x1024xf32, #tpu.memory_space<hbm>> -> memref<1x1024xf32, #tpu.memory_space<hbm>>
      %dma_wait3A_159 = tpu.memref_squeeze %dma_wait3A_158 : memref<1x1024xf32, #tpu.memory_space<hbm>> -> memref<1024xf32, #tpu.memory_space<hbm>>
      %dma_wait3A_160 = arith.constant 0 : i32
      %dma_wait3A_161 = tpu.memref_slice %arg7[%select_n3A, %dma_wait3A_160] : memref<4x1024xf32, #tpu.memory_space<hbm>> -> memref<1x1024xf32, #tpu.memory_space<hbm>>
      %dma_wait3A_162 = tpu.memref_squeeze %dma_wait3A_161 : memref<1x1024xf32, #tpu.memory_space<hbm>> -> memref<1024xf32, #tpu.memory_space<hbm>>
      tpu.wait_dma2 semaphore(%run_scoped3A : memref<!tpu.dma_semaphore, #tpu.memory_space<semaphore_mem>>) src(%dma_wait3A_162 : memref<1024xf32, #tpu.memory_space<hbm>>) dst(%arg14 : memref<1024xf32, #tpu.memory_space<vmem>>)
      tpu.yield
    }) : () -> ()
    %iota3A = tpu.iota {dimensions = array<i32: 0>} : vector<16xi32>
    %add3A_31 = arith.constant 0 : i32
    %add3A_32 = vector.broadcast %add3A_31 : i32 to vector<16xi32>
    %add3A_33 = arith.addi %iota3A, %add3A_32 : vector<16xi32>
    %mul3A_34 = arith.constant 8 : i32
    %mul3A_35 = vector.broadcast %mul3A_34 : i32 to vector<16xi32>
    %mul3A_36 = arith.muli %add3A_33, %mul3A_35 : vector<16xi32>
    %add3A_37 = vector.broadcast %select_n3A_30 : i32 to vector<16xi32>
    %add3A_38 = arith.addi %mul3A_36, %add3A_37 : vector<16xi32>
    %mul3A_39 = arith.constant 1024 : i32
    %mul3A_40 = arith.muli %select_n3A, %mul3A_39 : i32
    %add3A_41 = vector.broadcast %mul3A_40 : i32 to vector<16xi32>
    %add3A_42 = arith.addi %add3A_38, %add3A_41 : vector<16xi32>
    %swap3A = arith.constant 0 : index
    %swap3A_43 = tpu.vector_load %arg17[%swap3A] {strides = array<i32>} : memref<128xi32, #tpu.memory_space<vmem>>, vector<16xi32>,
    tpu.vector_store %arg17[%swap3A], %add3A_42 {strides = array<i32>} : memref<128xi32, #tpu.memory_space<vmem>>, vector<16xi32>,
    %add3A_44 = arith.constant 16 : i32
    %add3A_45 = vector.broadcast %add3A_44 : i32 to vector<16xi32>
    %add3A_46 = arith.addi %iota3A, %add3A_45 : vector<16xi32>
    %mul3A_47 = arith.constant 8 : i32
    %mul3A_48 = vector.broadcast %mul3A_47 : i32 to vector<16xi32>
    %mul3A_49 = arith.muli %add3A_46, %mul3A_48 : vector<16xi32>
    %add3A_50 = vector.broadcast %select_n3A_30 : i32 to vector<16xi32>
    %add3A_51 = arith.addi %mul3A_49, %add3A_50 : vector<16xi32>
    %mul3A_52 = arith.constant 1024 : i32
    %mul3A_53 = arith.muli %select_n3A, %mul3A_52 : i32
    %add3A_54 = vector.broadcast %mul3A_53 : i32 to vector<16xi32>
    %add3A_55 = arith.addi %add3A_51, %add3A_54 : vector<16xi32>
    %swap3A_56 = arith.constant 16 : index
    %swap3A_57 = tpu.vector_load %arg17[%swap3A_56] {strides = array<i32>} : memref<128xi32, #tpu.memory_space<vmem>>, vector<16xi32>,
    tpu.vector_store %arg17[%swap3A_56], %add3A_55 {strides = array<i32>} : memref<128xi32, #tpu.memory_space<vmem>>, vector<16xi32>,
    %add3A_58 = arith.constant 32 : i32
    %add3A_59 = vector.broadcast %add3A_58 : i32 to vector<16xi32>
    %add3A_60 = arith.addi %iota3A, %add3A_59 : vector<16xi32>
    %mul3A_61 = arith.constant 8 : i32
    %mul3A_62 = vector.broadcast %mul3A_61 : i32 to vector<16xi32>
    %mul3A_63 = arith.muli %add3A_60, %mul3A_62 : vector<16xi32>
    %add3A_64 = vector.broadcast %select_n3A_30 : i32 to vector<16xi32>
    %add3A_65 = arith.addi %mul3A_63, %add3A_64 : vector<16xi32>
    %mul3A_66 = arith.constant 1024 : i32
    %mul3A_67 = arith.muli %select_n3A, %mul3A_66 : i32
    %add3A_68 = vector.broadcast %mul3A_67 : i32 to vector<16xi32>
    %add3A_69 = arith.addi %add3A_65, %add3A_68 : vector<16xi32>
    %swap3A_70 = arith.constant 32 : index
    %swap3A_71 = tpu.vector_load %arg17[%swap3A_70] {strides = array<i32>} : memref<128xi32, #tpu.memory_space<vmem>>, vector<16xi32>,
    tpu.vector_store %arg17[%swap3A_70], %add3A_69 {strides = array<i32>} : memref<128xi32, #tpu.memory_space<vmem>>, vector<16xi32>,
    %add3A_72 = arith.constant 48 : i32
    %add3A_73 = vector.broadcast %add3A_72 : i32 to vector<16xi32>
    %add3A_74 = arith.addi %iota3A, %add3A_73 : vector<16xi32>
    %mul3A_75 = arith.constant 8 : i32
    %mul3A_76 = vector.broadcast %mul3A_75 : i32 to vector<16xi32>
    %mul3A_77 = arith.muli %add3A_74, %mul3A_76 : vector<16xi32>
    %add3A_78 = vector.broadcast %select_n3A_30 : i32 to vector<16xi32>
    %add3A_79 = arith.addi %mul3A_77, %add3A_78 : vector<16xi32>
    %mul3A_80 = arith.constant 1024 : i32
    %mul3A_81 = arith.muli %select_n3A, %mul3A_80 : i32
    %add3A_82 = vector.broadcast %mul3A_81 : i32 to vector<16xi32>
    %add3A_83 = arith.addi %add3A_79, %add3A_82 : vector<16xi32>
    %swap3A_84 = arith.constant 48 : index
    %swap3A_85 = tpu.vector_load %arg17[%swap3A_84] {strides = array<i32>} : memref<128xi32, #tpu.memory_space<vmem>>, vector<16xi32>,
    tpu.vector_store %arg17[%swap3A_84], %add3A_83 {strides = array<i32>} : memref<128xi32, #tpu.memory_space<vmem>>, vector<16xi32>,
    %add3A_86 = arith.constant 64 : i32
    %add3A_87 = vector.broadcast %add3A_86 : i32 to vector<16xi32>
    %add3A_88 = arith.addi %iota3A, %add3A_87 : vector<16xi32>
    %mul3A_89 = arith.constant 8 : i32
    %mul3A_90 = vector.broadcast %mul3A_89 : i32 to vector<16xi32>
    %mul3A_91 = arith.muli %add3A_88, %mul3A_90 : vector<16xi32>
    %add3A_92 = vector.broadcast %select_n3A_30 : i32 to vector<16xi32>
    %add3A_93 = arith.addi %mul3A_91, %add3A_92 : vector<16xi32>
    %mul3A_94 = arith.constant 1024 : i32
    %mul3A_95 = arith.muli %select_n3A, %mul3A_94 : i32
    %add3A_96 = vector.broadcast %mul3A_95 : i32 to vector<16xi32>
    %add3A_97 = arith.addi %add3A_93, %add3A_96 : vector<16xi32>
    %swap3A_98 = arith.constant 64 : index
    %swap3A_99 = tpu.vector_load %arg17[%swap3A_98] {strides = array<i32>} : memref<128xi32, #tpu.memory_space<vmem>>, vector<16xi32>,
    tpu.vector_store %arg17[%swap3A_98], %add3A_97 {strides = array<i32>} : memref<128xi32, #tpu.memory_space<vmem>>, vector<16xi32>,
    %add3A_100 = arith.constant 80 : i32
    %add3A_101 = vector.broadcast %add3A_100 : i32 to vector<16xi32>
    %add3A_102 = arith.addi %iota3A, %add3A_101 : vector<16xi32>
    %mul3A_103 = arith.constant 8 : i32
    %mul3A_104 = vector.broadcast %mul3A_103 : i32 to vector<16xi32>
    %mul3A_105 = arith.muli %add3A_102, %mul3A_104 : vector<16xi32>
    %add3A_106 = vector.broadcast %select_n3A_30 : i32 to vector<16xi32>
    %add3A_107 = arith.addi %mul3A_105, %add3A_106 : vector<16xi32>
    %mul3A_108 = arith.constant 1024 : i32
    %mul3A_109 = arith.muli %select_n3A, %mul3A_108 : i32
    %add3A_110 = vector.broadcast %mul3A_109 : i32 to vector<16xi32>
    %add3A_111 = arith.addi %add3A_107, %add3A_110 : vector<16xi32>
    %swap3A_112 = arith.constant 80 : index
    %swap3A_113 = tpu.vector_load %arg17[%swap3A_112] {strides = array<i32>} : memref<128xi32, #tpu.memory_space<vmem>>, vector<16xi32>,
    tpu.vector_store %arg17[%swap3A_112], %add3A_111 {strides = array<i32>} : memref<128xi32, #tpu.memory_space<vmem>>, vector<16xi32>,
    %add3A_114 = arith.constant 96 : i32
    %add3A_115 = vector.broadcast %add3A_114 : i32 to vector<16xi32>
    %add3A_116 = arith.addi %iota3A, %add3A_115 : vector<16xi32>
    %mul3A_117 = arith.constant 8 : i32
    %mul3A_118 = vector.broadcast %mul3A_117 : i32 to vector<16xi32>
    %mul3A_119 = arith.muli %add3A_116, %mul3A_118 : vector<16xi32>
    %add3A_120 = vector.broadcast %select_n3A_30 : i32 to vector<16xi32>
    %add3A_121 = arith.addi %mul3A_119, %add3A_120 : vector<16xi32>
    %mul3A_122 = arith.constant 1024 : i32
    %mul3A_123 = arith.muli %select_n3A, %mul3A_122 : i32
    %add3A_124 = vector.broadcast %mul3A_123 : i32 to vector<16xi32>
    %add3A_125 = arith.addi %add3A_121, %add3A_124 : vector<16xi32>
    %swap3A_126 = arith.constant 96 : index
    %swap3A_127 = tpu.vector_load %arg17[%swap3A_126] {strides = array<i32>} : memref<128xi32, #tpu.memory_space<vmem>>, vector<16xi32>,
    tpu.vector_store %arg17[%swap3A_126], %add3A_125 {strides = array<i32>} : memref<128xi32, #tpu.memory_space<vmem>>, vector<16xi32>,
    %add3A_128 = arith.constant 112 : i32
    %add3A_129 = vector.broadcast %add3A_128 : i32 to vector<16xi32>
    %add3A_130 = arith.addi %iota3A, %add3A_129 : vector<16xi32>
    %mul3A_131 = arith.constant 8 : i32
    %mul3A_132 = vector.broadcast %mul3A_131 : i32 to vector<16xi32>
    %mul3A_133 = arith.muli %add3A_130, %mul3A_132 : vector<16xi32>
    %add3A_134 = vector.broadcast %select_n3A_30 : i32 to vector<16xi32>
    %add3A_135 = arith.addi %mul3A_133, %add3A_134 : vector<16xi32>
    %mul3A_136 = arith.constant 1024 : i32
    %mul3A_137 = arith.muli %select_n3A, %mul3A_136 : i32
    %add3A_138 = vector.broadcast %mul3A_137 : i32 to vector<16xi32>
    %add3A_139 = arith.addi %add3A_135, %add3A_138 : vector<16xi32>
    %swap3A_140 = arith.constant 112 : index
    %swap3A_141 = tpu.vector_load %arg17[%swap3A_140] {strides = array<i32>} : memref<128xi32, #tpu.memory_space<vmem>>, vector<16xi32>,
    tpu.vector_store %arg17[%swap3A_140], %add3A_139 {strides = array<i32>} : memref<128xi32, #tpu.memory_space<vmem>>, vector<16xi32>,
    %scan3A = arith.constant 0 : i32
    %scan3A_142 = arith.constant 0 : i32
    %scan3A_143 = arith.constant 128 : i32
    %scan3A_144 = arith.addi %scan3A_142, %scan3A_143 : i32
    %scan3A_145 = arith.constant 1 : i32
    scf.for %scan3A_151 = %scan3A_142 to %scan3A_144 step %scan3A_145  : i32 {
      %mul3A_152 = arith.constant 8 : i32
      %mul3A_153 = arith.muli %scan3A_151, %mul3A_152 : i32
      %add3A_154 = arith.addi %mul3A_153, %select_n3A_30 : i32
      %broadcast_in_dim3A = vector.broadcast %add3A_154 : i32 to vector<16xi32>
      %gather3A = tpu.vector_load_idx %arg12[%broadcast_in_dim3A] : memref<1024xf32, #tpu.memory_space<vmem>>[vector<16xi32>], vector<16xf32>,
      %gather3A_155 = tpu.vector_load_idx %arg13[%broadcast_in_dim3A] : memref<1024xf32, #tpu.memory_space<vmem>>[vector<16xi32>], vector<16xf32>,
      %gather3A_156 = tpu.vector_load_idx %arg14[%broadcast_in_dim3A] : memref<1024xf32, #tpu.memory_space<vmem>>[vector<16xi32>], vector<16xf32>,
      %while3A = arith.constant 0 : i32
      %while3A_157 = arith.constant 0 : i32
      %while3A_158:2 = scf.while (%while3A_261 = %while3A, %while3A_262 = %while3A_157) : (i32, i32) -> (i32, i32) {
        %lt3A_263 = arith.constant 64 : i32
        %lt3A_264 = arith.cmpi slt, %while3A_262, %lt3A_263 : i32
        %lt3A_265 = arith.constant 8192 : i32
        %lt3A_266 = arith.cmpi slt, %while3A_261, %lt3A_265 : i32
        %and3A_267 = arith.andi %lt3A_264, %lt3A_266 : i1
        scf.condition(%and3A_267) %while3A_261, %while3A_262 : i32, i32
      } do {
      ^bb0(%while3A_261: i32, %while3A_262: i32):
        %add3A_263 = arith.constant 0 : i32
        %add3A_264 = arith.addi %while3A_261, %add3A_263 : i32
        %get3A_265 = arith.index_cast %add3A_264 : i32 to index
        %get3A_266 = tpu.vector_load %arg9[%get3A_265] {strides = array<i32>} : memref<8192xf32, #tpu.memory_space<vmem>>, vector<16xf32>,
        %add3A_267 = arith.constant 0 : i32
        %add3A_268 = arith.addi %while3A_261, %add3A_267 : i32
        %get3A_269 = arith.index_cast %add3A_268 : i32 to index
        %get3A_270 = tpu.vector_load %arg10[%get3A_269] {strides = array<i32>} : memref<8192xf32, #tpu.memory_space<vmem>>, vector<16xf32>,
        %add3A_271 = arith.constant 0 : i32
        %add3A_272 = arith.addi %while3A_261, %add3A_271 : i32
        %get3A_273 = arith.index_cast %add3A_272 : i32 to index
        %get3A_274 = tpu.vector_load %arg11[%get3A_273] {strides = array<i32>} : memref<8192xf32, #tpu.memory_space<vmem>>, vector<16xf32>,
        %sub3A_275 = arith.subf %get3A_266, %gather3A : vector<16xf32>
        %sub3A_276 = arith.subf %get3A_270, %gather3A_155 : vector<16xf32>
        %sub3A_277 = arith.subf %get3A_274, %gather3A_156 : vector<16xf32>
        %mul3A_278 = arith.mulf %sub3A_275, %sub3A_275 : vector<16xf32>
        %mul3A_279 = arith.mulf %sub3A_277, %sub3A_277 : vector<16xf32>
        %add3A_280 = arith.addf %mul3A_278, %mul3A_279 : vector<16xf32>
        %mul3A_281 = arith.mulf %sub3A_276, %sub3A_276 : vector<16xf32>
        %add3A_282 = arith.addf %add3A_280, %mul3A_281 : vector<16xf32>
        %le3A = arith.constant 4.000000e-02 : f32
        %le3A_283 = vector.broadcast %le3A : f32 to vector<16xf32>
        %le3A_284 = arith.cmpf ole, %add3A_282, %le3A_283 : vector<16xf32>
        %all_reduce_population_count3A = tpu.all_reduce %le3A_284 {dim = 0 : i64, kind = #tpu.reduction_kind<sum>} : vector<16xi1> -> vector<16xi32>
        %add3A_285 = arith.constant 16 : i32
        %add3A_286 = arith.addi %while3A_261, %add3A_285 : i32
        %get3A_287 = arith.index_cast %add3A_286 : i32 to index
        %get3A_288 = tpu.vector_load %arg9[%get3A_287] {strides = array<i32>} : memref<8192xf32, #tpu.memory_space<vmem>>, vector<16xf32>,
        %add3A_289 = arith.constant 16 : i32
        %add3A_290 = arith.addi %while3A_261, %add3A_289 : i32
        %get3A_291 = arith.index_cast %add3A_290 : i32 to index
        %get3A_292 = tpu.vector_load %arg10[%get3A_291] {strides = array<i32>} : memref<8192xf32, #tpu.memory_space<vmem>>, vector<16xf32>,
        %add3A_293 = arith.constant 16 : i32
        %add3A_294 = arith.addi %while3A_261, %add3A_293 : i32
        %get3A_295 = arith.index_cast %add3A_294 : i32 to index
        %get3A_296 = tpu.vector_load %arg11[%get3A_295] {strides = array<i32>} : memref<8192xf32, #tpu.memory_space<vmem>>, vector<16xf32>,
        %sub3A_297 = arith.subf %get3A_288, %gather3A : vector<16xf32>
        %sub3A_298 = arith.subf %get3A_292, %gather3A_155 : vector<16xf32>
        %sub3A_299 = arith.subf %get3A_296, %gather3A_156 : vector<16xf32>
        %mul3A_300 = arith.mulf %sub3A_297, %sub3A_297 : vector<16xf32>
        %mul3A_301 = arith.mulf %sub3A_299, %sub3A_299 : vector<16xf32>
        %add3A_302 = arith.addf %mul3A_300, %mul3A_301 : vector<16xf32>
        %mul3A_303 = arith.mulf %sub3A_298, %sub3A_298 : vector<16xf32>
        %add3A_304 = arith.addf %add3A_302, %mul3A_303 : vector<16xf32>
        %le3A_305 = arith.constant 4.000000e-02 : f32
        %le3A_306 = vector.broadcast %le3A_305 : f32 to vector<16xf32>
        %le3A_307 = arith.cmpf ole, %add3A_304, %le3A_306 : vector<16xf32>
        %all_reduce_population_count3A_308 = tpu.all_reduce %le3A_307 {dim = 0 : i64, kind = #tpu.reduction_kind<sum>} : vector<16xi1> -> vector<16xi32>
        %add3A_309 = arith.constant 32 : i32
        %add3A_310 = arith.addi %while3A_261, %add3A_309 : i32
        %get3A_311 = arith.index_cast %add3A_310 : i32 to index
        %get3A_312 = tpu.vector_load %arg9[%get3A_311] {strides = array<i32>} : memref<8192xf32, #tpu.memory_space<vmem>>, vector<16xf32>,
        %add3A_313 = arith.constant 32 : i32
        %add3A_314 = arith.addi %while3A_261, %add3A_313 : i32
        %get3A_315 = arith.index_cast %add3A_314 : i32 to index
        %get3A_316 = tpu.vector_load %arg10[%get3A_315] {strides = array<i32>} : memref<8192xf32, #tpu.memory_space<vmem>>, vector<16xf32>,
        %add3A_317 = arith.constant 32 : i32
        %add3A_318 = arith.addi %while3A_261, %add3A_317 : i32
        %get3A_319 = arith.index_cast %add3A_318 : i32 to index
        %get3A_320 = tpu.vector_load %arg11[%get3A_319] {strides = array<i32>} : memref<8192xf32, #tpu.memory_space<vmem>>, vector<16xf32>,
        %sub3A_321 = arith.subf %get3A_312, %gather3A : vector<16xf32>
        %sub3A_322 = arith.subf %get3A_316, %gather3A_155 : vector<16xf32>
        %sub3A_323 = arith.subf %get3A_320, %gather3A_156 : vector<16xf32>
        %mul3A_324 = arith.mulf %sub3A_321, %sub3A_321 : vector<16xf32>
        %mul3A_325 = arith.mulf %sub3A_323, %sub3A_323 : vector<16xf32>
        %add3A_326 = arith.addf %mul3A_324, %mul3A_325 : vector<16xf32>
        %mul3A_327 = arith.mulf %sub3A_322, %sub3A_322 : vector<16xf32>
        %add3A_328 = arith.addf %add3A_326, %mul3A_327 : vector<16xf32>
        %le3A_329 = arith.constant 4.000000e-02 : f32
        %le3A_330 = vector.broadcast %le3A_329 : f32 to vector<16xf32>
        %le3A_331 = arith.cmpf ole, %add3A_328, %le3A_330 : vector<16xf32>
        %all_reduce_population_count3A_332 = tpu.all_reduce %le3A_331 {dim = 0 : i64, kind = #tpu.reduction_kind<sum>} : vector<16xi1> -> vector<16xi32>
        %add3A_333 = arith.constant 48 : i32
        %add3A_334 = arith.addi %while3A_261, %add3A_333 : i32
        %get3A_335 = arith.index_cast %add3A_334 : i32 to index
        %get3A_336 = tpu.vector_load %arg9[%get3A_335] {strides = array<i32>} : memref<8192xf32, #tpu.memory_space<vmem>>, vector<16xf32>,
        %add3A_337 = arith.constant 48 : i32
        %add3A_338 = arith.addi %while3A_261, %add3A_337 : i32
        %get3A_339 = arith.index_cast %add3A_338 : i32 to index
        %get3A_340 = tpu.vector_load %arg10[%get3A_339] {strides = array<i32>} : memref<8192xf32, #tpu.memory_space<vmem>>, vector<16xf32>,
        %add3A_341 = arith.constant 48 : i32
        %add3A_342 = arith.addi %while3A_261, %add3A_341 : i32
        %get3A_343 = arith.index_cast %add3A_342 : i32 to index
        %get3A_344 = tpu.vector_load %arg11[%get3A_343] {strides = array<i32>} : memref<8192xf32, #tpu.memory_space<vmem>>, vector<16xf32>,
        %sub3A_345 = arith.subf %get3A_336, %gather3A : vector<16xf32>
        %sub3A_346 = arith.subf %get3A_340, %gather3A_155 : vector<16xf32>
        %sub3A_347 = arith.subf %get3A_344, %gather3A_156 : vector<16xf32>
        %mul3A_348 = arith.mulf %sub3A_345, %sub3A_345 : vector<16xf32>
        %mul3A_349 = arith.mulf %sub3A_347, %sub3A_347 : vector<16xf32>
        %add3A_350 = arith.addf %mul3A_348, %mul3A_349 : vector<16xf32>
        %mul3A_351 = arith.mulf %sub3A_346, %sub3A_346 : vector<16xf32>
        %add3A_352 = arith.addf %add3A_350, %mul3A_351 : vector<16xf32>
        %le3A_353 = arith.constant 4.000000e-02 : f32
        %le3A_354 = vector.broadcast %le3A_353 : f32 to vector<16xf32>
        %le3A_355 = arith.cmpf ole, %add3A_352, %le3A_354 : vector<16xf32>
        %all_reduce_population_count3A_356 = tpu.all_reduce %le3A_355 {dim = 0 : i64, kind = #tpu.reduction_kind<sum>} : vector<16xi1> -> vector<16xi32>
        %add3A_357 = arith.constant 64 : i32
        %add3A_358 = arith.addi %while3A_261, %add3A_357 : i32
        %get3A_359 = arith.index_cast %add3A_358 : i32 to index
        %get3A_360 = tpu.vector_load %arg9[%get3A_359] {strides = array<i32>} : memref<8192xf32, #tpu.memory_space<vmem>>, vector<16xf32>,
        %add3A_361 = arith.constant 64 : i32
        %add3A_362 = arith.addi %while3A_261, %add3A_361 : i32
        %get3A_363 = arith.index_cast %add3A_362 : i32 to index
        %get3A_364 = tpu.vector_load %arg10[%get3A_363] {strides = array<i32>} : memref<8192xf32, #tpu.memory_space<vmem>>, vector<16xf32>,
        %add3A_365 = arith.constant 64 : i32
        %add3A_366 = arith.addi %while3A_261, %add3A_365 : i32
        %get3A_367 = arith.index_cast %add3A_366 : i32 to index
        %get3A_368 = tpu.vector_load %arg11[%get3A_367] {strides = array<i32>} : memref<8192xf32, #tpu.memory_space<vmem>>, vector<16xf32>,
        %sub3A_369 = arith.subf %get3A_360, %gather3A : vector<16xf32>
        %sub3A_370 = arith.subf %get3A_364, %gather3A_155 : vector<16xf32>
        %sub3A_371 = arith.subf %get3A_368, %gather3A_156 : vector<16xf32>
        %mul3A_372 = arith.mulf %sub3A_369, %sub3A_369 : vector<16xf32>
        %mul3A_373 = arith.mulf %sub3A_371, %sub3A_371 : vector<16xf32>
        %add3A_374 = arith.addf %mul3A_372, %mul3A_373 : vector<16xf32>
        %mul3A_375 = arith.mulf %sub3A_370, %sub3A_370 : vector<16xf32>
        %add3A_376 = arith.addf %add3A_374, %mul3A_375 : vector<16xf32>
        %le3A_377 = arith.constant 4.000000e-02 : f32
        %le3A_378 = vector.broadcast %le3A_377 : f32 to vector<16xf32>
        %le3A_379 = arith.cmpf ole, %add3A_376, %le3A_378 : vector<16xf32>
        %all_reduce_population_count3A_380 = tpu.all_reduce %le3A_379 {dim = 0 : i64, kind = #tpu.reduction_kind<sum>} : vector<16xi1> -> vector<16xi32>
        %add3A_381 = arith.constant 80 : i32
        %add3A_382 = arith.addi %while3A_261, %add3A_381 : i32
        %get3A_383 = arith.index_cast %add3A_382 : i32 to index
        %get3A_384 = tpu.vector_load %arg9[%get3A_383] {strides = array<i32>} : memref<8192xf32, #tpu.memory_space<vmem>>, vector<16xf32>,
        %add3A_385 = arith.constant 80 : i32
        %add3A_386 = arith.addi %while3A_261, %add3A_385 : i32
        %get3A_387 = arith.index_cast %add3A_386 : i32 to index
        %get3A_388 = tpu.vector_load %arg10[%get3A_387] {strides = array<i32>} : memref<8192xf32, #tpu.memory_space<vmem>>, vector<16xf32>,
        %add3A_389 = arith.constant 80 : i32
        %add3A_390 = arith.addi %while3A_261, %add3A_389 : i32
        %get3A_391 = arith.index_cast %add3A_390 : i32 to index
        %get3A_392 = tpu.vector_load %arg11[%get3A_391] {strides = array<i32>} : memref<8192xf32, #tpu.memory_space<vmem>>, vector<16xf32>,
        %sub3A_393 = arith.subf %get3A_384, %gather3A : vector<16xf32>
        %sub3A_394 = arith.subf %get3A_388, %gather3A_155 : vector<16xf32>
        %sub3A_395 = arith.subf %get3A_392, %gather3A_156 : vector<16xf32>
        %mul3A_396 = arith.mulf %sub3A_393, %sub3A_393 : vector<16xf32>
        %mul3A_397 = arith.mulf %sub3A_395, %sub3A_395 : vector<16xf32>
        %add3A_398 = arith.addf %mul3A_396, %mul3A_397 : vector<16xf32>
        %mul3A_399 = arith.mulf %sub3A_394, %sub3A_394 : vector<16xf32>
        %add3A_400 = arith.addf %add3A_398, %mul3A_399 : vector<16xf32>
        %le3A_401 = arith.constant 4.000000e-02 : f32
        %le3A_402 = vector.broadcast %le3A_401 : f32 to vector<16xf32>
        %le3A_403 = arith.cmpf ole, %add3A_400, %le3A_402 : vector<16xf32>
        %all_reduce_population_count3A_404 = tpu.all_reduce %le3A_403 {dim = 0 : i64, kind = #tpu.reduction_kind<sum>} : vector<16xi1> -> vector<16xi32>
        %add3A_405 = arith.constant 96 : i32
        %add3A_406 = arith.addi %while3A_261, %add3A_405 : i32
        %get3A_407 = arith.index_cast %add3A_406 : i32 to index
        %get3A_408 = tpu.vector_load %arg9[%get3A_407] {strides = array<i32>} : memref<8192xf32, #tpu.memory_space<vmem>>, vector<16xf32>,
        %add3A_409 = arith.constant 96 : i32
        %add3A_410 = arith.addi %while3A_261, %add3A_409 : i32
        %get3A_411 = arith.index_cast %add3A_410 : i32 to index
        %get3A_412 = tpu.vector_load %arg10[%get3A_411] {strides = array<i32>} : memref<8192xf32, #tpu.memory_space<vmem>>, vector<16xf32>,
        %add3A_413 = arith.constant 96 : i32
        %add3A_414 = arith.addi %while3A_261, %add3A_413 : i32
        %get3A_415 = arith.index_cast %add3A_414 : i32 to index
        %get3A_416 = tpu.vector_load %arg11[%get3A_415] {strides = array<i32>} : memref<8192xf32, #tpu.memory_space<vmem>>, vector<16xf32>,
        %sub3A_417 = arith.subf %get3A_408, %gather3A : vector<16xf32>
        %sub3A_418 = arith.subf %get3A_412, %gather3A_155 : vector<16xf32>
        %sub3A_419 = arith.subf %get3A_416, %gather3A_156 : vector<16xf32>
        %mul3A_420 = arith.mulf %sub3A_417, %sub3A_417 : vector<16xf32>
        %mul3A_421 = arith.mulf %sub3A_419, %sub3A_419 : vector<16xf32>
        %add3A_422 = arith.addf %mul3A_420, %mul3A_421 : vector<16xf32>
        %mul3A_423 = arith.mulf %sub3A_418, %sub3A_418 : vector<16xf32>
        %add3A_424 = arith.addf %add3A_422, %mul3A_423 : vector<16xf32>
        %le3A_425 = arith.constant 4.000000e-02 : f32
        %le3A_426 = vector.broadcast %le3A_425 : f32 to vector<16xf32>
        %le3A_427 = arith.cmpf ole, %add3A_424, %le3A_426 : vector<16xf32>
        %all_reduce_population_count3A_428 = tpu.all_reduce %le3A_427 {dim = 0 : i64, kind = #tpu.reduction_kind<sum>} : vector<16xi1> -> vector<16xi32>
        %add3A_429 = arith.constant 112 : i32
        %add3A_430 = arith.addi %while3A_261, %add3A_429 : i32
        %get3A_431 = arith.index_cast %add3A_430 : i32 to index
        %get3A_432 = tpu.vector_load %arg9[%get3A_431] {strides = array<i32>} : memref<8192xf32, #tpu.memory_space<vmem>>, vector<16xf32>,
        %add3A_433 = arith.constant 112 : i32
        %add3A_434 = arith.addi %while3A_261, %add3A_433 : i32
        %get3A_435 = arith.index_cast %add3A_434 : i32 to index
        %get3A_436 = tpu.vector_load %arg10[%get3A_435] {strides = array<i32>} : memref<8192xf32, #tpu.memory_space<vmem>>, vector<16xf32>,
        %add3A_437 = arith.constant 112 : i32
        %add3A_438 = arith.addi %while3A_261, %add3A_437 : i32
        %get3A_439 = arith.index_cast %add3A_438 : i32 to index
        %get3A_440 = tpu.vector_load %arg11[%get3A_439] {strides = array<i32>} : memref<8192xf32, #tpu.memory_space<vmem>>, vector<16xf32>,
        %sub3A_441 = arith.subf %get3A_432, %gather3A : vector<16xf32>
        %sub3A_442 = arith.subf %get3A_436, %gather3A_155 : vector<16xf32>
        %sub3A_443 = arith.subf %get3A_440, %gather3A_156 : vector<16xf32>
        %mul3A_444 = arith.mulf %sub3A_441, %sub3A_441 : vector<16xf32>
        %mul3A_445 = arith.mulf %sub3A_443, %sub3A_443 : vector<16xf32>
        %add3A_446 = arith.addf %mul3A_444, %mul3A_445 : vector<16xf32>
        %mul3A_447 = arith.mulf %sub3A_442, %sub3A_442 : vector<16xf32>
        %add3A_448 = arith.addf %add3A_446, %mul3A_447 : vector<16xf32>
        %le3A_449 = arith.constant 4.000000e-02 : f32
        %le3A_450 = vector.broadcast %le3A_449 : f32 to vector<16xf32>
        %le3A_451 = arith.cmpf ole, %add3A_448, %le3A_450 : vector<16xf32>
        %all_reduce_population_count3A_452 = tpu.all_reduce %le3A_451 {dim = 0 : i64, kind = #tpu.reduction_kind<sum>} : vector<16xi1> -> vector<16xi32>
        %add3A_453 = arith.constant 128 : i32
        %add3A_454 = arith.addi %while3A_261, %add3A_453 : i32
        %get3A_455 = arith.index_cast %add3A_454 : i32 to index
        %get3A_456 = tpu.vector_load %arg9[%get3A_455] {strides = array<i32>} : memref<8192xf32, #tpu.memory_space<vmem>>, vector<16xf32>,
        %add3A_457 = arith.constant 128 : i32
        %add3A_458 = arith.addi %while3A_261, %add3A_457 : i32
        %get3A_459 = arith.index_cast %add3A_458 : i32 to index
        %get3A_460 = tpu.vector_load %arg10[%get3A_459] {strides = array<i32>} : memref<8192xf32, #tpu.memory_space<vmem>>, vector<16xf32>,
        %add3A_461 = arith.constant 128 : i32
        %add3A_462 = arith.addi %while3A_261, %add3A_461 : i32
        %get3A_463 = arith.index_cast %add3A_462 : i32 to index
        %get3A_464 = tpu.vector_load %arg11[%get3A_463] {strides = array<i32>} : memref<8192xf32, #tpu.memory_space<vmem>>, vector<16xf32>,
        %sub3A_465 = arith.subf %get3A_456, %gather3A : vector<16xf32>
        %sub3A_466 = arith.subf %get3A_460, %gather3A_155 : vector<16xf32>
        %sub3A_467 = arith.subf %get3A_464, %gather3A_156 : vector<16xf32>
        %mul3A_468 = arith.mulf %sub3A_465, %sub3A_465 : vector<16xf32>
        %mul3A_469 = arith.mulf %sub3A_467, %sub3A_467 : vector<16xf32>
        %add3A_470 = arith.addf %mul3A_468, %mul3A_469 : vector<16xf32>
        %mul3A_471 = arith.mulf %sub3A_466, %sub3A_466 : vector<16xf32>
        %add3A_472 = arith.addf %add3A_470, %mul3A_471 : vector<16xf32>
        %le3A_473 = arith.constant 4.000000e-02 : f32
        %le3A_474 = vector.broadcast %le3A_473 : f32 to vector<16xf32>
        %le3A_475 = arith.cmpf ole, %add3A_472, %le3A_474 : vector<16xf32>
        %all_reduce_population_count3A_476 = tpu.all_reduce %le3A_475 {dim = 0 : i64, kind = #tpu.reduction_kind<sum>} : vector<16xi1> -> vector<16xi32>
        %add3A_477 = arith.constant 144 : i32
        %add3A_478 = arith.addi %while3A_261, %add3A_477 : i32
        %get3A_479 = arith.index_cast %add3A_478 : i32 to index
        %get3A_480 = tpu.vector_load %arg9[%get3A_479] {strides = array<i32>} : memref<8192xf32, #tpu.memory_space<vmem>>, vector<16xf32>,
        %add3A_481 = arith.constant 144 : i32
        %add3A_482 = arith.addi %while3A_261, %add3A_481 : i32
        %get3A_483 = arith.index_cast %add3A_482 : i32 to index
        %get3A_484 = tpu.vector_load %arg10[%get3A_483] {strides = array<i32>} : memref<8192xf32, #tpu.memory_space<vmem>>, vector<16xf32>,
        %add3A_485 = arith.constant 144 : i32
        %add3A_486 = arith.addi %while3A_261, %add3A_485 : i32
        %get3A_487 = arith.index_cast %add3A_486 : i32 to index
        %get3A_488 = tpu.vector_load %arg11[%get3A_487] {strides = array<i32>} : memref<8192xf32, #tpu.memory_space<vmem>>, vector<16xf32>,
        %sub3A_489 = arith.subf %get3A_480, %gather3A : vector<16xf32>
        %sub3A_490 = arith.subf %get3A_484, %gather3A_155 : vector<16xf32>
        %sub3A_491 = arith.subf %get3A_488, %gather3A_156 : vector<16xf32>
        %mul3A_492 = arith.mulf %sub3A_489, %sub3A_489 : vector<16xf32>
        %mul3A_493 = arith.mulf %sub3A_491, %sub3A_491 : vector<16xf32>
        %add3A_494 = arith.addf %mul3A_492, %mul3A_493 : vector<16xf32>
        %mul3A_495 = arith.mulf %sub3A_490, %sub3A_490 : vector<16xf32>
        %add3A_496 = arith.addf %add3A_494, %mul3A_495 : vector<16xf32>
        %le3A_497 = arith.constant 4.000000e-02 : f32
        %le3A_498 = vector.broadcast %le3A_497 : f32 to vector<16xf32>
        %le3A_499 = arith.cmpf ole, %add3A_496, %le3A_498 : vector<16xf32>
        %all_reduce_population_count3A_500 = tpu.all_reduce %le3A_499 {dim = 0 : i64, kind = #tpu.reduction_kind<sum>} : vector<16xi1> -> vector<16xi32>
        %add3A_501 = arith.constant 160 : i32
        %add3A_502 = arith.addi %while3A_261, %add3A_501 : i32
        %get3A_503 = arith.index_cast %add3A_502 : i32 to index
        %get3A_504 = tpu.vector_load %arg9[%get3A_503] {strides = array<i32>} : memref<8192xf32, #tpu.memory_space<vmem>>, vector<16xf32>,
        %add3A_505 = arith.constant 160 : i32
        %add3A_506 = arith.addi %while3A_261, %add3A_505 : i32
        %get3A_507 = arith.index_cast %add3A_506 : i32 to index
        %get3A_508 = tpu.vector_load %arg10[%get3A_507] {strides = array<i32>} : memref<8192xf32, #tpu.memory_space<vmem>>, vector<16xf32>,
        %add3A_509 = arith.constant 160 : i32
        %add3A_510 = arith.addi %while3A_261, %add3A_509 : i32
        %get3A_511 = arith.index_cast %add3A_510 : i32 to index
        %get3A_512 = tpu.vector_load %arg11[%get3A_511] {strides = array<i32>} : memref<8192xf32, #tpu.memory_space<vmem>>, vector<16xf32>,
        %sub3A_513 = arith.subf %get3A_504, %gather3A : vector<16xf32>
        %sub3A_514 = arith.subf %get3A_508, %gather3A_155 : vector<16xf32>
        %sub3A_515 = arith.subf %get3A_512, %gather3A_156 : vector<16xf32>
        %mul3A_516 = arith.mulf %sub3A_513, %sub3A_513 : vector<16xf32>
        %mul3A_517 = arith.mulf %sub3A_515, %sub3A_515 : vector<16xf32>
        %add3A_518 = arith.addf %mul3A_516, %mul3A_517 : vector<16xf32>
        %mul3A_519 = arith.mulf %sub3A_514, %sub3A_514 : vector<16xf32>
        %add3A_520 = arith.addf %add3A_518, %mul3A_519 : vector<16xf32>
        %le3A_521 = arith.constant 4.000000e-02 : f32
        %le3A_522 = vector.broadcast %le3A_521 : f32 to vector<16xf32>
        %le3A_523 = arith.cmpf ole, %add3A_520, %le3A_522 : vector<16xf32>
        %all_reduce_population_count3A_524 = tpu.all_reduce %le3A_523 {dim = 0 : i64, kind = #tpu.reduction_kind<sum>} : vector<16xi1> -> vector<16xi32>
        %add3A_525 = arith.constant 176 : i32
        %add3A_526 = arith.addi %while3A_261, %add3A_525 : i32
        %get3A_527 = arith.index_cast %add3A_526 : i32 to index
        %get3A_528 = tpu.vector_load %arg9[%get3A_527] {strides = array<i32>} : memref<8192xf32, #tpu.memory_space<vmem>>, vector<16xf32>,
        %add3A_529 = arith.constant 176 : i32
        %add3A_530 = arith.addi %while3A_261, %add3A_529 : i32
        %get3A_531 = arith.index_cast %add3A_530 : i32 to index
        %get3A_532 = tpu.vector_load %arg10[%get3A_531] {strides = array<i32>} : memref<8192xf32, #tpu.memory_space<vmem>>, vector<16xf32>,
        %add3A_533 = arith.constant 176 : i32
        %add3A_534 = arith.addi %while3A_261, %add3A_533 : i32
        %get3A_535 = arith.index_cast %add3A_534 : i32 to index
        %get3A_536 = tpu.vector_load %arg11[%get3A_535] {strides = array<i32>} : memref<8192xf32, #tpu.memory_space<vmem>>, vector<16xf32>,
        %sub3A_537 = arith.subf %get3A_528, %gather3A : vector<16xf32>
        %sub3A_538 = arith.subf %get3A_532, %gather3A_155 : vector<16xf32>
        %sub3A_539 = arith.subf %get3A_536, %gather3A_156 : vector<16xf32>
        %mul3A_540 = arith.mulf %sub3A_537, %sub3A_537 : vector<16xf32>
        %mul3A_541 = arith.mulf %sub3A_539, %sub3A_539 : vector<16xf32>
        %add3A_542 = arith.addf %mul3A_540, %mul3A_541 : vector<16xf32>
        %mul3A_543 = arith.mulf %sub3A_538, %sub3A_538 : vector<16xf32>
        %add3A_544 = arith.addf %add3A_542, %mul3A_543 : vector<16xf32>
        %le3A_545 = arith.constant 4.000000e-02 : f32
        %le3A_546 = vector.broadcast %le3A_545 : f32 to vector<16xf32>
        %le3A_547 = arith.cmpf ole, %add3A_544, %le3A_546 : vector<16xf32>
        %all_reduce_population_count3A_548 = tpu.all_reduce %le3A_547 {dim = 0 : i64, kind = #tpu.reduction_kind<sum>} : vector<16xi1> -> vector<16xi32>
        %add3A_549 = arith.constant 192 : i32
        %add3A_550 = arith.addi %while3A_261, %add3A_549 : i32
        %get3A_551 = arith.index_cast %add3A_550 : i32 to index
        %get3A_552 = tpu.vector_load %arg9[%get3A_551] {strides = array<i32>} : memref<8192xf32, #tpu.memory_space<vmem>>, vector<16xf32>,
        %add3A_553 = arith.constant 192 : i32
        %add3A_554 = arith.addi %while3A_261, %add3A_553 : i32
        %get3A_555 = arith.index_cast %add3A_554 : i32 to index
        %get3A_556 = tpu.vector_load %arg10[%get3A_555] {strides = array<i32>} : memref<8192xf32, #tpu.memory_space<vmem>>, vector<16xf32>,
        %add3A_557 = arith.constant 192 : i32
        %add3A_558 = arith.addi %while3A_261, %add3A_557 : i32
        %get3A_559 = arith.index_cast %add3A_558 : i32 to index
        %get3A_560 = tpu.vector_load %arg11[%get3A_559] {strides = array<i32>} : memref<8192xf32, #tpu.memory_space<vmem>>, vector<16xf32>,
        %sub3A_561 = arith.subf %get3A_552, %gather3A : vector<16xf32>
        %sub3A_562 = arith.subf %get3A_556, %gather3A_155 : vector<16xf32>
        %sub3A_563 = arith.subf %get3A_560, %gather3A_156 : vector<16xf32>
        %mul3A_564 = arith.mulf %sub3A_561, %sub3A_561 : vector<16xf32>
        %mul3A_565 = arith.mulf %sub3A_563, %sub3A_563 : vector<16xf32>
        %add3A_566 = arith.addf %mul3A_564, %mul3A_565 : vector<16xf32>
        %mul3A_567 = arith.mulf %sub3A_562, %sub3A_562 : vector<16xf32>
        %add3A_568 = arith.addf %add3A_566, %mul3A_567 : vector<16xf32>
        %le3A_569 = arith.constant 4.000000e-02 : f32
        %le3A_570 = vector.broadcast %le3A_569 : f32 to vector<16xf32>
        %le3A_571 = arith.cmpf ole, %add3A_568, %le3A_570 : vector<16xf32>
        %all_reduce_population_count3A_572 = tpu.all_reduce %le3A_571 {dim = 0 : i64, kind = #tpu.reduction_kind<sum>} : vector<16xi1> -> vector<16xi32>
        %add3A_573 = arith.constant 208 : i32
        %add3A_574 = arith.addi %while3A_261, %add3A_573 : i32
        %get3A_575 = arith.index_cast %add3A_574 : i32 to index
        %get3A_576 = tpu.vector_load %arg9[%get3A_575] {strides = array<i32>} : memref<8192xf32, #tpu.memory_space<vmem>>, vector<16xf32>,
        %add3A_577 = arith.constant 208 : i32
        %add3A_578 = arith.addi %while3A_261, %add3A_577 : i32
        %get3A_579 = arith.index_cast %add3A_578 : i32 to index
        %get3A_580 = tpu.vector_load %arg10[%get3A_579] {strides = array<i32>} : memref<8192xf32, #tpu.memory_space<vmem>>, vector<16xf32>,
        %add3A_581 = arith.constant 208 : i32
        %add3A_582 = arith.addi %while3A_261, %add3A_581 : i32
        %get3A_583 = arith.index_cast %add3A_582 : i32 to index
        %get3A_584 = tpu.vector_load %arg11[%get3A_583] {strides = array<i32>} : memref<8192xf32, #tpu.memory_space<vmem>>, vector<16xf32>,
        %sub3A_585 = arith.subf %get3A_576, %gather3A : vector<16xf32>
        %sub3A_586 = arith.subf %get3A_580, %gather3A_155 : vector<16xf32>
        %sub3A_587 = arith.subf %get3A_584, %gather3A_156 : vector<16xf32>
        %mul3A_588 = arith.mulf %sub3A_585, %sub3A_585 : vector<16xf32>
        %mul3A_589 = arith.mulf %sub3A_587, %sub3A_587 : vector<16xf32>
        %add3A_590 = arith.addf %mul3A_588, %mul3A_589 : vector<16xf32>
        %mul3A_591 = arith.mulf %sub3A_586, %sub3A_586 : vector<16xf32>
        %add3A_592 = arith.addf %add3A_590, %mul3A_591 : vector<16xf32>
        %le3A_593 = arith.constant 4.000000e-02 : f32
        %le3A_594 = vector.broadcast %le3A_593 : f32 to vector<16xf32>
        %le3A_595 = arith.cmpf ole, %add3A_592, %le3A_594 : vector<16xf32>
        %all_reduce_population_count3A_596 = tpu.all_reduce %le3A_595 {dim = 0 : i64, kind = #tpu.reduction_kind<sum>} : vector<16xi1> -> vector<16xi32>
        %add3A_597 = arith.constant 224 : i32
        %add3A_598 = arith.addi %while3A_261, %add3A_597 : i32
        %get3A_599 = arith.index_cast %add3A_598 : i32 to index
        %get3A_600 = tpu.vector_load %arg9[%get3A_599] {strides = array<i32>} : memref<8192xf32, #tpu.memory_space<vmem>>, vector<16xf32>,
        %add3A_601 = arith.constant 224 : i32
        %add3A_602 = arith.addi %while3A_261, %add3A_601 : i32
        %get3A_603 = arith.index_cast %add3A_602 : i32 to index
        %get3A_604 = tpu.vector_load %arg10[%get3A_603] {strides = array<i32>} : memref<8192xf32, #tpu.memory_space<vmem>>, vector<16xf32>,
        %add3A_605 = arith.constant 224 : i32
        %add3A_606 = arith.addi %while3A_261, %add3A_605 : i32
        %get3A_607 = arith.index_cast %add3A_606 : i32 to index
        %get3A_608 = tpu.vector_load %arg11[%get3A_607] {strides = array<i32>} : memref<8192xf32, #tpu.memory_space<vmem>>, vector<16xf32>,
        %sub3A_609 = arith.subf %get3A_600, %gather3A : vector<16xf32>
        %sub3A_610 = arith.subf %get3A_604, %gather3A_155 : vector<16xf32>
        %sub3A_611 = arith.subf %get3A_608, %gather3A_156 : vector<16xf32>
        %mul3A_612 = arith.mulf %sub3A_609, %sub3A_609 : vector<16xf32>
        %mul3A_613 = arith.mulf %sub3A_611, %sub3A_611 : vector<16xf32>
        %add3A_614 = arith.addf %mul3A_612, %mul3A_613 : vector<16xf32>
        %mul3A_615 = arith.mulf %sub3A_610, %sub3A_610 : vector<16xf32>
        %add3A_616 = arith.addf %add3A_614, %mul3A_615 : vector<16xf32>
        %le3A_617 = arith.constant 4.000000e-02 : f32
        %le3A_618 = vector.broadcast %le3A_617 : f32 to vector<16xf32>
        %le3A_619 = arith.cmpf ole, %add3A_616, %le3A_618 : vector<16xf32>
        %all_reduce_population_count3A_620 = tpu.all_reduce %le3A_619 {dim = 0 : i64, kind = #tpu.reduction_kind<sum>} : vector<16xi1> -> vector<16xi32>
        %add3A_621 = arith.constant 240 : i32
        %add3A_622 = arith.addi %while3A_261, %add3A_621 : i32
        %get3A_623 = arith.index_cast %add3A_622 : i32 to index
        %get3A_624 = tpu.vector_load %arg9[%get3A_623] {strides = array<i32>} : memref<8192xf32, #tpu.memory_space<vmem>>, vector<16xf32>,
        %add3A_625 = arith.constant 240 : i32
        %add3A_626 = arith.addi %while3A_261, %add3A_625 : i32
        %get3A_627 = arith.index_cast %add3A_626 : i32 to index
        %get3A_628 = tpu.vector_load %arg10[%get3A_627] {strides = array<i32>} : memref<8192xf32, #tpu.memory_space<vmem>>, vector<16xf32>,
        %add3A_629 = arith.constant 240 : i32
        %add3A_630 = arith.addi %while3A_261, %add3A_629 : i32
        %get3A_631 = arith.index_cast %add3A_630 : i32 to index
        %get3A_632 = tpu.vector_load %arg11[%get3A_631] {strides = array<i32>} : memref<8192xf32, #tpu.memory_space<vmem>>, vector<16xf32>,
        %sub3A_633 = arith.subf %get3A_624, %gather3A : vector<16xf32>
        %sub3A_634 = arith.subf %get3A_628, %gather3A_155 : vector<16xf32>
        %sub3A_635 = arith.subf %get3A_632, %gather3A_156 : vector<16xf32>
        %mul3A_636 = arith.mulf %sub3A_633, %sub3A_633 : vector<16xf32>
        %mul3A_637 = arith.mulf %sub3A_635, %sub3A_635 : vector<16xf32>
        %add3A_638 = arith.addf %mul3A_636, %mul3A_637 : vector<16xf32>
        %mul3A_639 = arith.mulf %sub3A_634, %sub3A_634 : vector<16xf32>
        %add3A_640 = arith.addf %add3A_638, %mul3A_639 : vector<16xf32>
        %le3A_641 = arith.constant 4.000000e-02 : f32
        %le3A_642 = vector.broadcast %le3A_641 : f32 to vector<16xf32>
        %le3A_643 = arith.cmpf ole, %add3A_640, %le3A_642 : vector<16xf32>
        %all_reduce_population_count3A_644 = tpu.all_reduce %le3A_643 {dim = 0 : i64, kind = #tpu.reduction_kind<sum>} : vector<16xi1> -> vector<16xi32>
        %slice3A_645 = vector.extract_strided_slice %all_reduce_population_count3A {offsets = [0], sizes = [1], strides = [1]} : vector<16xi32> to vector<1xi32>
        %squeeze3A_646 = vector.extract %slice3A_645[0] : i32 from vector<1xi32>
        %add3A_647 = arith.addi %while3A_262, %squeeze3A_646 : i32
        %add3A_648 = arith.addi %all_reduce_population_count3A, %all_reduce_population_count3A_308 : vector<16xi32>
        %slice3A_649 = vector.extract_strided_slice %add3A_648 {offsets = [0], sizes = [1], strides = [1]} : vector<16xi32> to vector<1xi32>
        %squeeze3A_650 = vector.extract %slice3A_649[0] : i32 from vector<1xi32>
        %add3A_651 = arith.addi %while3A_262, %squeeze3A_650 : i32
        %add3A_652 = arith.addi %add3A_648, %all_reduce_population_count3A_332 : vector<16xi32>
        %slice3A_653 = vector.extract_strided_slice %add3A_652 {offsets = [0], sizes = [1], strides = [1]} : vector<16xi32> to vector<1xi32>
        %squeeze3A_654 = vector.extract %slice3A_653[0] : i32 from vector<1xi32>
        %add3A_655 = arith.addi %while3A_262, %squeeze3A_654 : i32
        %add3A_656 = arith.addi %add3A_652, %all_reduce_population_count3A_356 : vector<16xi32>
        %slice3A_657 = vector.extract_strided_slice %add3A_656 {offsets = [0], sizes = [1], strides = [1]} : vector<16xi32> to vector<1xi32>
        %squeeze3A_658 = vector.extract %slice3A_657[0] : i32 from vector<1xi32>
        %add3A_659 = arith.addi %while3A_262, %squeeze3A_658 : i32
        %add3A_660 = arith.addi %add3A_656, %all_reduce_population_count3A_380 : vector<16xi32>
        %slice3A_661 = vector.extract_strided_slice %add3A_660 {offsets = [0], sizes = [1], strides = [1]} : vector<16xi32> to vector<1xi32>
        %squeeze3A_662 = vector.extract %slice3A_661[0] : i32 from vector<1xi32>
        %add3A_663 = arith.addi %while3A_262, %squeeze3A_662 : i32
        %add3A_664 = arith.addi %add3A_660, %all_reduce_population_count3A_404 : vector<16xi32>
        %slice3A_665 = vector.extract_strided_slice %add3A_664 {offsets = [0], sizes = [1], strides = [1]} : vector<16xi32> to vector<1xi32>
        %squeeze3A_666 = vector.extract %slice3A_665[0] : i32 from vector<1xi32>
        %add3A_667 = arith.addi %while3A_262, %squeeze3A_666 : i32
        %add3A_668 = arith.addi %add3A_664, %all_reduce_population_count3A_428 : vector<16xi32>
        %slice3A_669 = vector.extract_strided_slice %add3A_668 {offsets = [0], sizes = [1], strides = [1]} : vector<16xi32> to vector<1xi32>
        %squeeze3A_670 = vector.extract %slice3A_669[0] : i32 from vector<1xi32>
        %add3A_671 = arith.addi %while3A_262, %squeeze3A_670 : i32
        %add3A_672 = arith.addi %add3A_668, %all_reduce_population_count3A_452 : vector<16xi32>
        %slice3A_673 = vector.extract_strided_slice %add3A_672 {offsets = [0], sizes = [1], strides = [1]} : vector<16xi32> to vector<1xi32>
        %squeeze3A_674 = vector.extract %slice3A_673[0] : i32 from vector<1xi32>
        %add3A_675 = arith.addi %while3A_262, %squeeze3A_674 : i32
        %add3A_676 = arith.addi %add3A_672, %all_reduce_population_count3A_476 : vector<16xi32>
        %slice3A_677 = vector.extract_strided_slice %add3A_676 {offsets = [0], sizes = [1], strides = [1]} : vector<16xi32> to vector<1xi32>
        %squeeze3A_678 = vector.extract %slice3A_677[0] : i32 from vector<1xi32>
        %add3A_679 = arith.addi %while3A_262, %squeeze3A_678 : i32
        %add3A_680 = arith.addi %add3A_676, %all_reduce_population_count3A_500 : vector<16xi32>
        %slice3A_681 = vector.extract_strided_slice %add3A_680 {offsets = [0], sizes = [1], strides = [1]} : vector<16xi32> to vector<1xi32>
        %squeeze3A_682 = vector.extract %slice3A_681[0] : i32 from vector<1xi32>
        %add3A_683 = arith.addi %while3A_262, %squeeze3A_682 : i32
        %add3A_684 = arith.addi %add3A_680, %all_reduce_population_count3A_524 : vector<16xi32>
        %slice3A_685 = vector.extract_strided_slice %add3A_684 {offsets = [0], sizes = [1], strides = [1]} : vector<16xi32> to vector<1xi32>
        %squeeze3A_686 = vector.extract %slice3A_685[0] : i32 from vector<1xi32>
        %add3A_687 = arith.addi %while3A_262, %squeeze3A_686 : i32
        %add3A_688 = arith.addi %add3A_684, %all_reduce_population_count3A_548 : vector<16xi32>
        %slice3A_689 = vector.extract_strided_slice %add3A_688 {offsets = [0], sizes = [1], strides = [1]} : vector<16xi32> to vector<1xi32>
        %squeeze3A_690 = vector.extract %slice3A_689[0] : i32 from vector<1xi32>
        %add3A_691 = arith.addi %while3A_262, %squeeze3A_690 : i32
        %add3A_692 = arith.addi %add3A_688, %all_reduce_population_count3A_572 : vector<16xi32>
        %slice3A_693 = vector.extract_strided_slice %add3A_692 {offsets = [0], sizes = [1], strides = [1]} : vector<16xi32> to vector<1xi32>
        %squeeze3A_694 = vector.extract %slice3A_693[0] : i32 from vector<1xi32>
        %add3A_695 = arith.addi %while3A_262, %squeeze3A_694 : i32
        %add3A_696 = arith.addi %add3A_692, %all_reduce_population_count3A_596 : vector<16xi32>
        %slice3A_697 = vector.extract_strided_slice %add3A_696 {offsets = [0], sizes = [1], strides = [1]} : vector<16xi32> to vector<1xi32>
        %squeeze3A_698 = vector.extract %slice3A_697[0] : i32 from vector<1xi32>
        %add3A_699 = arith.addi %while3A_262, %squeeze3A_698 : i32
        %add3A_700 = arith.addi %add3A_696, %all_reduce_population_count3A_620 : vector<16xi32>
        %slice3A_701 = vector.extract_strided_slice %add3A_700 {offsets = [0], sizes = [1], strides = [1]} : vector<16xi32> to vector<1xi32>
        %squeeze3A_702 = vector.extract %slice3A_701[0] : i32 from vector<1xi32>
        %add3A_703 = arith.addi %while3A_262, %squeeze3A_702 : i32
        %add3A_704 = arith.addi %add3A_700, %all_reduce_population_count3A_644 : vector<16xi32>
        %add3A_705 = arith.constant 0 : i32
        %add3A_706 = arith.addi %while3A_261, %add3A_705 : i32
        %add3A_707 = vector.broadcast %add3A_706 : i32 to vector<16xi32>
        %add3A_708 = arith.addi %iota3A, %add3A_707 : vector<16xi32>
        %swap3A_709 = arith.index_cast %while3A_262 : i32 to index
        %swap3A_710 = tpu.vector_load %arg15[%swap3A_709] masked %le3A_284 {strides = array<i32>} : memref<336xi32, #tpu.memory_space<vmem>>, vector<16xi32>, vector<16xi1>
        tpu.vector_store %arg15[%swap3A_709], %add3A_708 masked %le3A_284 {strides = array<i32>} : memref<336xi32, #tpu.memory_space<vmem>>, vector<16xi32>, vector<16xi1>
        %add3A_711 = arith.constant 16 : i32
        %add3A_712 = arith.addi %while3A_261, %add3A_711 : i32
        %add3A_713 = vector.broadcast %add3A_712 : i32 to vector<16xi32>
        %add3A_714 = arith.addi %iota3A, %add3A_713 : vector<16xi32>
        %swap3A_715 = arith.index_cast %add3A_647 : i32 to index
        %swap3A_716 = tpu.vector_load %arg15[%swap3A_715] masked %le3A_307 {strides = array<i32>} : memref<336xi32, #tpu.memory_space<vmem>>, vector<16xi32>, vector<16xi1>
        tpu.vector_store %arg15[%swap3A_715], %add3A_714 masked %le3A_307 {strides = array<i32>} : memref<336xi32, #tpu.memory_space<vmem>>, vector<16xi32>, vector<16xi1>
        %add3A_717 = arith.constant 32 : i32
        %add3A_718 = arith.addi %while3A_261, %add3A_717 : i32
        %add3A_719 = vector.broadcast %add3A_718 : i32 to vector<16xi32>
        %add3A_720 = arith.addi %iota3A, %add3A_719 : vector<16xi32>
        %swap3A_721 = arith.index_cast %add3A_651 : i32 to index
        %swap3A_722 = tpu.vector_load %arg15[%swap3A_721] masked %le3A_331 {strides = array<i32>} : memref<336xi32, #tpu.memory_space<vmem>>, vector<16xi32>, vector<16xi1>
        tpu.vector_store %arg15[%swap3A_721], %add3A_720 masked %le3A_331 {strides = array<i32>} : memref<336xi32, #tpu.memory_space<vmem>>, vector<16xi32>, vector<16xi1>
        %add3A_723 = arith.constant 48 : i32
        %add3A_724 = arith.addi %while3A_261, %add3A_723 : i32
        %add3A_725 = vector.broadcast %add3A_724 : i32 to vector<16xi32>
        %add3A_726 = arith.addi %iota3A, %add3A_725 : vector<16xi32>
        %swap3A_727 = arith.index_cast %add3A_655 : i32 to index
        %swap3A_728 = tpu.vector_load %arg15[%swap3A_727] masked %le3A_355 {strides = array<i32>} : memref<336xi32, #tpu.memory_space<vmem>>, vector<16xi32>, vector<16xi1>
        tpu.vector_store %arg15[%swap3A_727], %add3A_726 masked %le3A_355 {strides = array<i32>} : memref<336xi32, #tpu.memory_space<vmem>>, vector<16xi32>, vector<16xi1>
        %add3A_729 = arith.constant 64 : i32
        %add3A_730 = arith.addi %while3A_261, %add3A_729 : i32
        %add3A_731 = vector.broadcast %add3A_730 : i32 to vector<16xi32>
        %add3A_732 = arith.addi %iota3A, %add3A_731 : vector<16xi32>
        %swap3A_733 = arith.index_cast %add3A_659 : i32 to index
        %swap3A_734 = tpu.vector_load %arg15[%swap3A_733] masked %le3A_379 {strides = array<i32>} : memref<336xi32, #tpu.memory_space<vmem>>, vector<16xi32>, vector<16xi1>
        tpu.vector_store %arg15[%swap3A_733], %add3A_732 masked %le3A_379 {strides = array<i32>} : memref<336xi32, #tpu.memory_space<vmem>>, vector<16xi32>, vector<16xi1>
        %add3A_735 = arith.constant 80 : i32
        %add3A_736 = arith.addi %while3A_261, %add3A_735 : i32
        %add3A_737 = vector.broadcast %add3A_736 : i32 to vector<16xi32>
        %add3A_738 = arith.addi %iota3A, %add3A_737 : vector<16xi32>
        %swap3A_739 = arith.index_cast %add3A_663 : i32 to index
        %swap3A_740 = tpu.vector_load %arg15[%swap3A_739] masked %le3A_403 {strides = array<i32>} : memref<336xi32, #tpu.memory_space<vmem>>, vector<16xi32>, vector<16xi1>
        tpu.vector_store %arg15[%swap3A_739], %add3A_738 masked %le3A_403 {strides = array<i32>} : memref<336xi32, #tpu.memory_space<vmem>>, vector<16xi32>, vector<16xi1>
        %add3A_741 = arith.constant 96 : i32
        %add3A_742 = arith.addi %while3A_261, %add3A_741 : i32
        %add3A_743 = vector.broadcast %add3A_742 : i32 to vector<16xi32>
        %add3A_744 = arith.addi %iota3A, %add3A_743 : vector<16xi32>
        %swap3A_745 = arith.index_cast %add3A_667 : i32 to index
        %swap3A_746 = tpu.vector_load %arg15[%swap3A_745] masked %le3A_427 {strides = array<i32>} : memref<336xi32, #tpu.memory_space<vmem>>, vector<16xi32>, vector<16xi1>
        tpu.vector_store %arg15[%swap3A_745], %add3A_744 masked %le3A_427 {strides = array<i32>} : memref<336xi32, #tpu.memory_space<vmem>>, vector<16xi32>, vector<16xi1>
        %add3A_747 = arith.constant 112 : i32
        %add3A_748 = arith.addi %while3A_261, %add3A_747 : i32
        %add3A_749 = vector.broadcast %add3A_748 : i32 to vector<16xi32>
        %add3A_750 = arith.addi %iota3A, %add3A_749 : vector<16xi32>
        %swap3A_751 = arith.index_cast %add3A_671 : i32 to index
        %swap3A_752 = tpu.vector_load %arg15[%swap3A_751] masked %le3A_451 {strides = array<i32>} : memref<336xi32, #tpu.memory_space<vmem>>, vector<16xi32>, vector<16xi1>
        tpu.vector_store %arg15[%swap3A_751], %add3A_750 masked %le3A_451 {strides = array<i32>} : memref<336xi32, #tpu.memory_space<vmem>>, vector<16xi32>, vector<16xi1>
        %add3A_753 = arith.constant 128 : i32
        %add3A_754 = arith.addi %while3A_261, %add3A_753 : i32
        %add3A_755 = vector.broadcast %add3A_754 : i32 to vector<16xi32>
        %add3A_756 = arith.addi %iota3A, %add3A_755 : vector<16xi32>
        %swap3A_757 = arith.index_cast %add3A_675 : i32 to index
        %swap3A_758 = tpu.vector_load %arg15[%swap3A_757] masked %le3A_475 {strides = array<i32>} : memref<336xi32, #tpu.memory_space<vmem>>, vector<16xi32>, vector<16xi1>
        tpu.vector_store %arg15[%swap3A_757], %add3A_756 masked %le3A_475 {strides = array<i32>} : memref<336xi32, #tpu.memory_space<vmem>>, vector<16xi32>, vector<16xi1>
        %add3A_759 = arith.constant 144 : i32
        %add3A_760 = arith.addi %while3A_261, %add3A_759 : i32
        %add3A_761 = vector.broadcast %add3A_760 : i32 to vector<16xi32>
        %add3A_762 = arith.addi %iota3A, %add3A_761 : vector<16xi32>
        %swap3A_763 = arith.index_cast %add3A_679 : i32 to index
        %swap3A_764 = tpu.vector_load %arg15[%swap3A_763] masked %le3A_499 {strides = array<i32>} : memref<336xi32, #tpu.memory_space<vmem>>, vector<16xi32>, vector<16xi1>
        tpu.vector_store %arg15[%swap3A_763], %add3A_762 masked %le3A_499 {strides = array<i32>} : memref<336xi32, #tpu.memory_space<vmem>>, vector<16xi32>, vector<16xi1>
        %add3A_765 = arith.constant 160 : i32
        %add3A_766 = arith.addi %while3A_261, %add3A_765 : i32
        %add3A_767 = vector.broadcast %add3A_766 : i32 to vector<16xi32>
        %add3A_768 = arith.addi %iota3A, %add3A_767 : vector<16xi32>
        %swap3A_769 = arith.index_cast %add3A_683 : i32 to index
        %swap3A_770 = tpu.vector_load %arg15[%swap3A_769] masked %le3A_523 {strides = array<i32>} : memref<336xi32, #tpu.memory_space<vmem>>, vector<16xi32>, vector<16xi1>
        tpu.vector_store %arg15[%swap3A_769], %add3A_768 masked %le3A_523 {strides = array<i32>} : memref<336xi32, #tpu.memory_space<vmem>>, vector<16xi32>, vector<16xi1>
        %add3A_771 = arith.constant 176 : i32
        %add3A_772 = arith.addi %while3A_261, %add3A_771 : i32
        %add3A_773 = vector.broadcast %add3A_772 : i32 to vector<16xi32>
        %add3A_774 = arith.addi %iota3A, %add3A_773 : vector<16xi32>
        %swap3A_775 = arith.index_cast %add3A_687 : i32 to index
        %swap3A_776 = tpu.vector_load %arg15[%swap3A_775] masked %le3A_547 {strides = array<i32>} : memref<336xi32, #tpu.memory_space<vmem>>, vector<16xi32>, vector<16xi1>
        tpu.vector_store %arg15[%swap3A_775], %add3A_774 masked %le3A_547 {strides = array<i32>} : memref<336xi32, #tpu.memory_space<vmem>>, vector<16xi32>, vector<16xi1>
        %add3A_777 = arith.constant 192 : i32
        %add3A_778 = arith.addi %while3A_261, %add3A_777 : i32
        %add3A_779 = vector.broadcast %add3A_778 : i32 to vector<16xi32>
        %add3A_780 = arith.addi %iota3A, %add3A_779 : vector<16xi32>
        %swap3A_781 = arith.index_cast %add3A_691 : i32 to index
        %swap3A_782 = tpu.vector_load %arg15[%swap3A_781] masked %le3A_571 {strides = array<i32>} : memref<336xi32, #tpu.memory_space<vmem>>, vector<16xi32>, vector<16xi1>
        tpu.vector_store %arg15[%swap3A_781], %add3A_780 masked %le3A_571 {strides = array<i32>} : memref<336xi32, #tpu.memory_space<vmem>>, vector<16xi32>, vector<16xi1>
        %add3A_783 = arith.constant 208 : i32
        %add3A_784 = arith.addi %while3A_261, %add3A_783 : i32
        %add3A_785 = vector.broadcast %add3A_784 : i32 to vector<16xi32>
        %add3A_786 = arith.addi %iota3A, %add3A_785 : vector<16xi32>
        %swap3A_787 = arith.index_cast %add3A_695 : i32 to index
        %swap3A_788 = tpu.vector_load %arg15[%swap3A_787] masked %le3A_595 {strides = array<i32>} : memref<336xi32, #tpu.memory_space<vmem>>, vector<16xi32>, vector<16xi1>
        tpu.vector_store %arg15[%swap3A_787], %add3A_786 masked %le3A_595 {strides = array<i32>} : memref<336xi32, #tpu.memory_space<vmem>>, vector<16xi32>, vector<16xi1>
        %add3A_789 = arith.constant 224 : i32
        %add3A_790 = arith.addi %while3A_261, %add3A_789 : i32
        %add3A_791 = vector.broadcast %add3A_790 : i32 to vector<16xi32>
        %add3A_792 = arith.addi %iota3A, %add3A_791 : vector<16xi32>
        %swap3A_793 = arith.index_cast %add3A_699 : i32 to index
        %swap3A_794 = tpu.vector_load %arg15[%swap3A_793] masked %le3A_619 {strides = array<i32>} : memref<336xi32, #tpu.memory_space<vmem>>, vector<16xi32>, vector<16xi1>
        tpu.vector_store %arg15[%swap3A_793], %add3A_792 masked %le3A_619 {strides = array<i32>} : memref<336xi32, #tpu.memory_space<vmem>>, vector<16xi32>, vector<16xi1>
        %add3A_795 = arith.constant 240 : i32
        %add3A_796 = arith.addi %while3A_261, %add3A_795 : i32
        %add3A_797 = vector.broadcast %add3A_796 : i32 to vector<16xi32>
        %add3A_798 = arith.addi %iota3A, %add3A_797 : vector<16xi32>
        %swap3A_799 = arith.index_cast %add3A_703 : i32 to index
        %swap3A_800 = tpu.vector_load %arg15[%swap3A_799] masked %le3A_643 {strides = array<i32>} : memref<336xi32, #tpu.memory_space<vmem>>, vector<16xi32>, vector<16xi1>
        tpu.vector_store %arg15[%swap3A_799], %add3A_798 masked %le3A_643 {strides = array<i32>} : memref<336xi32, #tpu.memory_space<vmem>>, vector<16xi32>, vector<16xi1>
        %add3A_801 = arith.constant 256 : i32
        %add3A_802 = arith.addi %while3A_261, %add3A_801 : i32
        %slice3A_803 = vector.extract_strided_slice %add3A_704 {offsets = [0], sizes = [1], strides = [1]} : vector<16xi32> to vector<1xi32>
        %squeeze3A_804 = vector.extract %slice3A_803[0] : i32 from vector<1xi32>
        %add3A_805 = arith.addi %while3A_262, %squeeze3A_804 : i32
        scf.yield %add3A_802, %add3A_805 : i32, i32
      }
      %min3A = arith.constant 64 : i32
      %min3A_159 = arith.minsi %while3A_158#1, %min3A : i32
      %gt3A = arith.constant 0 : i32
      %gt3A_160 = arith.cmpi sgt, %min3A_159, %gt3A : i32
      %get3A = arith.constant 0 : index
      %get3A_161 = tpu.vector_load %arg15[%get3A] {strides = array<i32>} : memref<336xi32, #tpu.memory_space<vmem>>, vector<16xi32>,
      %slice3A = vector.extract_strided_slice %get3A_161 {offsets = [0], sizes = [1], strides = [1]} : vector<16xi32> to vector<1xi32>
      %squeeze3A = vector.extract %slice3A[0] : i32 from vector<1xi32>
      %jit3A_162 = arith.constant 0 : i32
      %select_n3A_163 = arith.select %gt3A_160, %squeeze3A, %jit3A_162 : i32
      %broadcast_in_dim3A_164 = vector.broadcast %scan3A_151 : i32 to vector<16xi32>
      %add3A_165 = arith.constant 0 : i32
      %add3A_166 = vector.broadcast %add3A_165 : i32 to vector<16xi32>
      %add3A_167 = arith.addi %iota3A, %add3A_166 : vector<16xi32>
      %get3A_168 = arith.constant 0 : index
      %get3A_169 = tpu.vector_load %arg15[%get3A_168] {strides = array<i32>} : memref<336xi32, #tpu.memory_space<vmem>>, vector<16xi32>,
      %lt3A_170 = vector.broadcast %min3A_159 : i32 to vector<16xi32>
      %lt3A_171 = arith.cmpi slt, %add3A_167, %lt3A_170 : vector<16xi32>
      %broadcast_in_dim3A_172 = vector.broadcast %select_n3A_163 : i32 to vector<16xi32>
      %select_n3A_173 = arith.select %lt3A_171, %get3A_169, %broadcast_in_dim3A_172 : vector<16xi1>, vector<16xi32>
      %gather3A_174 = tpu.vector_load_idx %arg9[%select_n3A_173] : memref<8192xf32, #tpu.memory_space<vmem>>[vector<16xi32>], vector<16xf32>,
      %sub3A_175 = arith.subf %gather3A_174, %gather3A : vector<16xf32>
      %gather3A_176 = tpu.vector_load_idx %arg10[%select_n3A_173] : memref<8192xf32, #tpu.memory_space<vmem>>[vector<16xi32>], vector<16xf32>,
      %sub3A_177 = arith.subf %gather3A_176, %gather3A_155 : vector<16xf32>
      %gather3A_178 = tpu.vector_load_idx %arg11[%select_n3A_173] : memref<8192xf32, #tpu.memory_space<vmem>>[vector<16xi32>], vector<16xf32>,
      %sub3A_179 = arith.subf %gather3A_178, %gather3A_156 : vector<16xf32>
      %mul3A_180 = arith.constant 3 : i32
      %mul3A_181 = vector.broadcast %mul3A_180 : i32 to vector<16xi32>
      %mul3A_182 = arith.muli %add3A_167, %mul3A_181 : vector<16xi32>
      tpu.vector_store_idx %arg16[%broadcast_in_dim3A_164, %mul3A_182], %sub3A_175 : memref<128x256xf32, #tpu.memory_space<vmem>>[vector<16xi32>, vector<16xi32>], vector<16xf32>,
      %add3A_183 = arith.constant 1 : i32
      %add3A_184 = vector.broadcast %add3A_183 : i32 to vector<16xi32>
      %add3A_185 = arith.addi %mul3A_182, %add3A_184 : vector<16xi32>
      tpu.vector_store_idx %arg16[%broadcast_in_dim3A_164, %add3A_185], %sub3A_177 : memref<128x256xf32, #tpu.memory_space<vmem>>[vector<16xi32>, vector<16xi32>], vector<16xf32>,
      %add3A_186 = arith.constant 2 : i32
      %add3A_187 = vector.broadcast %add3A_186 : i32 to vector<16xi32>
      %add3A_188 = arith.addi %mul3A_182, %add3A_187 : vector<16xi32>
      tpu.vector_store_idx %arg16[%broadcast_in_dim3A_164, %add3A_188], %sub3A_179 : memref<128x256xf32, #tpu.memory_space<vmem>>[vector<16xi32>, vector<16xi32>], vector<16xf32>,
      %add3A_189 = arith.constant 16 : i32
      %add3A_190 = vector.broadcast %add3A_189 : i32 to vector<16xi32>
      %add3A_191 = arith.addi %iota3A, %add3A_190 : vector<16xi32>
      %get3A_192 = arith.constant 16 : index
      %get3A_193 = tpu.vector_load %arg15[%get3A_192] {strides = array<i32>} : memref<336xi32, #tpu.memory_space<vmem>>, vector<16xi32>,
      %lt3A_194 = vector.broadcast %min3A_159 : i32 to vector<16xi32>
      %lt3A_195 = arith.cmpi slt, %add3A_191, %lt3A_194 : vector<16xi32>
      %broadcast_in_dim3A_196 = vector.broadcast %select_n3A_163 : i32 to vector<16xi32>
      %select_n3A_197 = arith.select %lt3A_195, %get3A_193, %broadcast_in_dim3A_196 : vector<16xi1>, vector<16xi32>
      %gather3A_198 = tpu.vector_load_idx %arg9[%select_n3A_197] : memref<8192xf32, #tpu.memory_space<vmem>>[vector<16xi32>], vector<16xf32>,
      %sub3A_199 = arith.subf %gather3A_198, %gather3A : vector<16xf32>
      %gather3A_200 = tpu.vector_load_idx %arg10[%select_n3A_197] : memref<8192xf32, #tpu.memory_space<vmem>>[vector<16xi32>], vector<16xf32>,
      %sub3A_201 = arith.subf %gather3A_200, %gather3A_155 : vector<16xf32>
      %gather3A_202 = tpu.vector_load_idx %arg11[%select_n3A_197] : memref<8192xf32, #tpu.memory_space<vmem>>[vector<16xi32>], vector<16xf32>,
      %sub3A_203 = arith.subf %gather3A_202, %gather3A_156 : vector<16xf32>
      %mul3A_204 = arith.constant 3 : i32
      %mul3A_205 = vector.broadcast %mul3A_204 : i32 to vector<16xi32>
      %mul3A_206 = arith.muli %add3A_191, %mul3A_205 : vector<16xi32>
      tpu.vector_store_idx %arg16[%broadcast_in_dim3A_164, %mul3A_206], %sub3A_199 : memref<128x256xf32, #tpu.memory_space<vmem>>[vector<16xi32>, vector<16xi32>], vector<16xf32>,
      %add3A_207 = arith.constant 1 : i32
      %add3A_208 = vector.broadcast %add3A_207 : i32 to vector<16xi32>
      %add3A_209 = arith.addi %mul3A_206, %add3A_208 : vector<16xi32>
      tpu.vector_store_idx %arg16[%broadcast_in_dim3A_164, %add3A_209], %sub3A_201 : memref<128x256xf32, #tpu.memory_space<vmem>>[vector<16xi32>, vector<16xi32>], vector<16xf32>,
      %add3A_210 = arith.constant 2 : i32
      %add3A_211 = vector.broadcast %add3A_210 : i32 to vector<16xi32>
      %add3A_212 = arith.addi %mul3A_206, %add3A_211 : vector<16xi32>
      tpu.vector_store_idx %arg16[%broadcast_in_dim3A_164, %add3A_212], %sub3A_203 : memref<128x256xf32, #tpu.memory_space<vmem>>[vector<16xi32>, vector<16xi32>], vector<16xf32>,
      %add3A_213 = arith.constant 32 : i32
      %add3A_214 = vector.broadcast %add3A_213 : i32 to vector<16xi32>
      %add3A_215 = arith.addi %iota3A, %add3A_214 : vector<16xi32>
      %get3A_216 = arith.constant 32 : index
      %get3A_217 = tpu.vector_load %arg15[%get3A_216] {strides = array<i32>} : memref<336xi32, #tpu.memory_space<vmem>>, vector<16xi32>,
      %lt3A_218 = vector.broadcast %min3A_159 : i32 to vector<16xi32>
      %lt3A_219 = arith.cmpi slt, %add3A_215, %lt3A_218 : vector<16xi32>
      %broadcast_in_dim3A_220 = vector.broadcast %select_n3A_163 : i32 to vector<16xi32>
      %select_n3A_221 = arith.select %lt3A_219, %get3A_217, %broadcast_in_dim3A_220 : vector<16xi1>, vector<16xi32>
      %gather3A_222 = tpu.vector_load_idx %arg9[%select_n3A_221] : memref<8192xf32, #tpu.memory_space<vmem>>[vector<16xi32>], vector<16xf32>,
      %sub3A_223 = arith.subf %gather3A_222, %gather3A : vector<16xf32>
      %gather3A_224 = tpu.vector_load_idx %arg10[%select_n3A_221] : memref<8192xf32, #tpu.memory_space<vmem>>[vector<16xi32>], vector<16xf32>,
      %sub3A_225 = arith.subf %gather3A_224, %gather3A_155 : vector<16xf32>
      %gather3A_226 = tpu.vector_load_idx %arg11[%select_n3A_221] : memref<8192xf32, #tpu.memory_space<vmem>>[vector<16xi32>], vector<16xf32>,
      %sub3A_227 = arith.subf %gather3A_226, %gather3A_156 : vector<16xf32>
      %mul3A_228 = arith.constant 3 : i32
      %mul3A_229 = vector.broadcast %mul3A_228 : i32 to vector<16xi32>
      %mul3A_230 = arith.muli %add3A_215, %mul3A_229 : vector<16xi32>
      tpu.vector_store_idx %arg16[%broadcast_in_dim3A_164, %mul3A_230], %sub3A_223 : memref<128x256xf32, #tpu.memory_space<vmem>>[vector<16xi32>, vector<16xi32>], vector<16xf32>,
      %add3A_231 = arith.constant 1 : i32
      %add3A_232 = vector.broadcast %add3A_231 : i32 to vector<16xi32>
      %add3A_233 = arith.addi %mul3A_230, %add3A_232 : vector<16xi32>
      tpu.vector_store_idx %arg16[%broadcast_in_dim3A_164, %add3A_233], %sub3A_225 : memref<128x256xf32, #tpu.memory_space<vmem>>[vector<16xi32>, vector<16xi32>], vector<16xf32>,
      %add3A_234 = arith.constant 2 : i32
      %add3A_235 = vector.broadcast %add3A_234 : i32 to vector<16xi32>
      %add3A_236 = arith.addi %mul3A_230, %add3A_235 : vector<16xi32>
      tpu.vector_store_idx %arg16[%broadcast_in_dim3A_164, %add3A_236], %sub3A_227 : memref<128x256xf32, #tpu.memory_space<vmem>>[vector<16xi32>, vector<16xi32>], vector<16xf32>,
      %add3A_237 = arith.constant 48 : i32
      %add3A_238 = vector.broadcast %add3A_237 : i32 to vector<16xi32>
      %add3A_239 = arith.addi %iota3A, %add3A_238 : vector<16xi32>
      %get3A_240 = arith.constant 48 : index
      %get3A_241 = tpu.vector_load %arg15[%get3A_240] {strides = array<i32>} : memref<336xi32, #tpu.memory_space<vmem>>, vector<16xi32>,
      %lt3A_242 = vector.broadcast %min3A_159 : i32 to vector<16xi32>
      %lt3A_243 = arith.cmpi slt, %add3A_239, %lt3A_242 : vector<16xi32>
      %broadcast_in_dim3A_244 = vector.broadcast %select_n3A_163 : i32 to vector<16xi32>
      %select_n3A_245 = arith.select %lt3A_243, %get3A_241, %broadcast_in_dim3A_244 : vector<16xi1>, vector<16xi32>
      %gather3A_246 = tpu.vector_load_idx %arg9[%select_n3A_245] : memref<8192xf32, #tpu.memory_space<vmem>>[vector<16xi32>], vector<16xf32>,
      %sub3A_247 = arith.subf %gather3A_246, %gather3A : vector<16xf32>
      %gather3A_248 = tpu.vector_load_idx %arg10[%select_n3A_245] : memref<8192xf32, #tpu.memory_space<vmem>>[vector<16xi32>], vector<16xf32>,
      %sub3A_249 = arith.subf %gather3A_248, %gather3A_155 : vector<16xf32>
      %gather3A_250 = tpu.vector_load_idx %arg11[%select_n3A_245] : memref<8192xf32, #tpu.memory_space<vmem>>[vector<16xi32>], vector<16xf32>,
      %sub3A_251 = arith.subf %gather3A_250, %gather3A_156 : vector<16xf32>
      %mul3A_252 = arith.constant 3 : i32
      %mul3A_253 = vector.broadcast %mul3A_252 : i32 to vector<16xi32>
      %mul3A_254 = arith.muli %add3A_239, %mul3A_253 : vector<16xi32>
      tpu.vector_store_idx %arg16[%broadcast_in_dim3A_164, %mul3A_254], %sub3A_247 : memref<128x256xf32, #tpu.memory_space<vmem>>[vector<16xi32>, vector<16xi32>], vector<16xf32>,
      %add3A_255 = arith.constant 1 : i32
      %add3A_256 = vector.broadcast %add3A_255 : i32 to vector<16xi32>
      %add3A_257 = arith.addi %mul3A_254, %add3A_256 : vector<16xi32>
      tpu.vector_store_idx %arg16[%broadcast_in_dim3A_164, %add3A_257], %sub3A_249 : memref<128x256xf32, #tpu.memory_space<vmem>>[vector<16xi32>, vector<16xi32>], vector<16xf32>,
      %add3A_258 = arith.constant 2 : i32
      %add3A_259 = vector.broadcast %add3A_258 : i32 to vector<16xi32>
      %add3A_260 = arith.addi %mul3A_254, %add3A_259 : vector<16xi32>
      tpu.vector_store_idx %arg16[%broadcast_in_dim3A_164, %add3A_260], %sub3A_251 : memref<128x256xf32, #tpu.memory_space<vmem>>[vector<16xi32>, vector<16xi32>], vector<16xf32>,
    }
    %scan3A_146 = arith.constant 128 : i32
    %dma_start3A = arith.constant 0 : i32
    %dma_start3A_147 = arith.constant 0 : i32
    %dma_start3A_148 = tpu.memref_slice %arg8[%dma_start3A, %dma_start3A_147] : memref<4096x256xf32, #tpu.memory_space<hbm>> -> memref<4096x256xf32, #tpu.memory_space<hbm>>
    tpu.enqueue_indirect_dma source(%arg16 : memref<128x256xf32, #tpu.memory_space<vmem>>) target(%dma_start3A_148 : memref<4096x256xf32, #tpu.memory_space<hbm>>) offsets(%arg17 : memref<128xi32, #tpu.memory_space<vmem>>) semaphore(%arg18 : memref<!tpu.dma_semaphore, #tpu.memory_space<semaphore_mem>>)
    %dma_wait3A = arith.constant 0 : i32
    %dma_wait3A_149 = arith.constant 0 : i32
    %dma_wait3A_150 = tpu.memref_slice %arg8[%dma_wait3A, %dma_wait3A_149] : memref<4096x256xf32, #tpu.memory_space<hbm>> -> memref<4096x256xf32, #tpu.memory_space<hbm>>
    tpu.wait_indirect_dma semaphore(%arg18 : memref<!tpu.dma_semaphore, #tpu.memory_space<semaphore_mem>>) src(%arg16 : memref<128x256xf32, #tpu.memory_space<vmem>>) dst(%dma_wait3A_150 : memref<4096x256xf32, #tpu.memory_space<hbm>>)
    return
  }
}

module attributes {stable_mosaic.version = 14 : i64} {
  func.func @_fps_body(%arg0: memref<4x64x128xf32, #tpu.memory_space<vmem>>, %arg1: memref<4x64x128xf32, #tpu.memory_space<vmem>>, %arg2: memref<4x64x128xf32, #tpu.memory_space<vmem>>, %arg3: memref<1024x16xf32, #tpu.memory_space<vmem>>, %arg4: memref<4x64x128xf32, #tpu.memory_space<vmem>>) attributes {dimension_semantics = [], scalar_prefetch = 0 : i64, scratch_operands = 1 : i64, tpu.core_type = #tpu.core_type<tc>} {
    %iota3A = tpu.iota {dimensions = array<i32: 1>} : vector<4x64x128xi32>
    %mul3A = arith.constant 128 : i32
    %mul3A_0 = vector.broadcast %mul3A : i32 to vector<4x64x128xi32>
    %mul3A_1 = arith.muli %iota3A, %mul3A_0 : vector<4x64x128xi32>
    %iota3A_2 = tpu.iota {dimensions = array<i32: 2>} : vector<4x64x128xi32>
    %add3A = arith.addi %mul3A_1, %iota3A_2 : vector<4x64x128xi32>
    %broadcast_in_dim3A = arith.constant 1.000000e+10 : f32
    %broadcast_in_dim3A_3 = vector.broadcast %broadcast_in_dim3A : f32 to vector<4x64x128xf32>
    %swap3A = arith.constant 0 : index
    %swap3A_4 = arith.constant 0 : index
    %swap3A_5 = arith.constant 0 : index
    %swap3A_6 = vector.load %arg4[%swap3A, %swap3A_4, %swap3A_5] : memref<4x64x128xf32, #tpu.memory_space<vmem>>, vector<4x64x128xf32>
    tpu.vector_store %arg4[%swap3A, %swap3A_4, %swap3A_5], %broadcast_in_dim3A_3 {strides = array<i32>} : memref<4x64x128xf32, #tpu.memory_space<vmem>>, vector<4x64x128xf32>,
    %get3A = arith.constant 0 : index
    %get3A_7 = arith.constant 0 : index
    %get3A_8 = arith.constant 0 : index
    %get3A_9 = vector.load %arg0[%get3A, %get3A_7, %get3A_8] : memref<4x64x128xf32, #tpu.memory_space<vmem>>, vector<4x1x1xf32>
    %get3A_10 = arith.constant 0 : index
    %get3A_11 = arith.constant 0 : index
    %get3A_12 = arith.constant 0 : index
    %get3A_13 = vector.load %arg1[%get3A_10, %get3A_11, %get3A_12] : memref<4x64x128xf32, #tpu.memory_space<vmem>>, vector<4x1x1xf32>
    %get3A_14 = arith.constant 0 : index
    %get3A_15 = arith.constant 0 : index
    %get3A_16 = arith.constant 0 : index
    %get3A_17 = vector.load %arg2[%get3A_14, %get3A_15, %get3A_16] : memref<4x64x128xf32, #tpu.memory_space<vmem>>, vector<4x1x1xf32>
    %scan3A = arith.constant 0 : i32
    %scan3A_18 = arith.constant 256 : i32
    %scan3A_19 = arith.addi %scan3A, %scan3A_18 : i32
    %scan3A_20 = arith.constant 1 : i32
    %scan3A_21:3 = scf.for %scan3A_23 = %scan3A to %scan3A_19 step %scan3A_20 iter_args(%scan3A_24 = %get3A_9, %scan3A_25 = %get3A_13, %scan3A_26 = %get3A_17) -> (vector<4x1x1xf32>, vector<4x1x1xf32>, vector<4x1x1xf32>)  : i32 {
      %get3A_27 = arith.constant 0 : index
      %get3A_28 = arith.constant 0 : index
      %get3A_29 = arith.constant 0 : index
      %get3A_30 = vector.load %arg0[%get3A_27, %get3A_28, %get3A_29] : memref<4x64x128xf32, #tpu.memory_space<vmem>>, vector<4x64x128xf32>
      %get3A_31 = arith.constant 0 : index
      %get3A_32 = arith.constant 0 : index
      %get3A_33 = arith.constant 0 : index
      %get3A_34 = vector.load %arg1[%get3A_31, %get3A_32, %get3A_33] : memref<4x64x128xf32, #tpu.memory_space<vmem>>, vector<4x64x128xf32>
      %get3A_35 = arith.constant 0 : index
      %get3A_36 = arith.constant 0 : index
      %get3A_37 = arith.constant 0 : index
      %get3A_38 = vector.load %arg2[%get3A_35, %get3A_36, %get3A_37] : memref<4x64x128xf32, #tpu.memory_space<vmem>>, vector<4x64x128xf32>
      %get3A_39 = arith.constant 0 : index
      %get3A_40 = arith.constant 0 : index
      %get3A_41 = arith.constant 0 : index
      %get3A_42 = vector.load %arg4[%get3A_39, %get3A_40, %get3A_41] : memref<4x64x128xf32, #tpu.memory_space<vmem>>, vector<4x64x128xf32>
      %mul3A_43 = arith.constant 4 : i32
      %mul3A_44 = arith.muli %mul3A_43, %scan3A_23 : i32
      %add3A_45 = arith.constant 0 : i32
      %add3A_46 = arith.addi %mul3A_44, %add3A_45 : i32
      %slice3A = vector.extract_strided_slice %scan3A_24 {offsets = [0, 0, 0], sizes = [1, 1, 1], strides = [1, 1, 1]} : vector<4x1x1xf32> to vector<1x1x1xf32>
      %squeeze3A = vector.shape_cast %slice3A : vector<1x1x1xf32> to vector<1x1xf32>
      %swap3A_47 = arith.index_cast %add3A_46 : i32 to index
      %swap3A_48 = arith.constant 0 : index
      %swap3A_49 = vector.load %arg3[%swap3A_47, %swap3A_48] : memref<1024x16xf32, #tpu.memory_space<vmem>>, vector<1x1xf32>
      tpu.vector_store %arg3[%swap3A_47, %swap3A_48], %squeeze3A {strides = array<i32>} : memref<1024x16xf32, #tpu.memory_space<vmem>>, vector<1x1xf32>,
      %slice3A_50 = vector.extract_strided_slice %scan3A_25 {offsets = [0, 0, 0], sizes = [1, 1, 1], strides = [1, 1, 1]} : vector<4x1x1xf32> to vector<1x1x1xf32>
      %squeeze3A_51 = vector.shape_cast %slice3A_50 : vector<1x1x1xf32> to vector<1x1xf32>
      %swap3A_52 = arith.index_cast %add3A_46 : i32 to index
      %swap3A_53 = arith.constant 1 : index
      %swap3A_54 = vector.load %arg3[%swap3A_52, %swap3A_53] : memref<1024x16xf32, #tpu.memory_space<vmem>>, vector<1x1xf32>
      tpu.vector_store %arg3[%swap3A_52, %swap3A_53], %squeeze3A_51 {strides = array<i32>} : memref<1024x16xf32, #tpu.memory_space<vmem>>, vector<1x1xf32>,
      %slice3A_55 = vector.extract_strided_slice %scan3A_26 {offsets = [0, 0, 0], sizes = [1, 1, 1], strides = [1, 1, 1]} : vector<4x1x1xf32> to vector<1x1x1xf32>
      %squeeze3A_56 = vector.shape_cast %slice3A_55 : vector<1x1x1xf32> to vector<1x1xf32>
      %swap3A_57 = arith.index_cast %add3A_46 : i32 to index
      %swap3A_58 = arith.constant 2 : index
      %swap3A_59 = vector.load %arg3[%swap3A_57, %swap3A_58] : memref<1024x16xf32, #tpu.memory_space<vmem>>, vector<1x1xf32>
      tpu.vector_store %arg3[%swap3A_57, %swap3A_58], %squeeze3A_56 {strides = array<i32>} : memref<1024x16xf32, #tpu.memory_space<vmem>>, vector<1x1xf32>,
      %slice3A_60 = vector.extract_strided_slice %scan3A_24 {offsets = [1, 0, 0], sizes = [1, 1, 1], strides = [1, 1, 1]} : vector<4x1x1xf32> to vector<1x1x1xf32>
      %squeeze3A_61 = vector.shape_cast %slice3A_60 : vector<1x1x1xf32> to vector<1x1xf32>
      %swap3A_62 = arith.index_cast %add3A_46 : i32 to index
      %swap3A_63 = arith.constant 4 : index
      %swap3A_64 = vector.load %arg3[%swap3A_62, %swap3A_63] : memref<1024x16xf32, #tpu.memory_space<vmem>>, vector<1x1xf32>
      tpu.vector_store %arg3[%swap3A_62, %swap3A_63], %squeeze3A_61 {strides = array<i32>} : memref<1024x16xf32, #tpu.memory_space<vmem>>, vector<1x1xf32>,
      %slice3A_65 = vector.extract_strided_slice %scan3A_25 {offsets = [1, 0, 0], sizes = [1, 1, 1], strides = [1, 1, 1]} : vector<4x1x1xf32> to vector<1x1x1xf32>
      %squeeze3A_66 = vector.shape_cast %slice3A_65 : vector<1x1x1xf32> to vector<1x1xf32>
      %swap3A_67 = arith.index_cast %add3A_46 : i32 to index
      %swap3A_68 = arith.constant 5 : index
      %swap3A_69 = vector.load %arg3[%swap3A_67, %swap3A_68] : memref<1024x16xf32, #tpu.memory_space<vmem>>, vector<1x1xf32>
      tpu.vector_store %arg3[%swap3A_67, %swap3A_68], %squeeze3A_66 {strides = array<i32>} : memref<1024x16xf32, #tpu.memory_space<vmem>>, vector<1x1xf32>,
      %slice3A_70 = vector.extract_strided_slice %scan3A_26 {offsets = [1, 0, 0], sizes = [1, 1, 1], strides = [1, 1, 1]} : vector<4x1x1xf32> to vector<1x1x1xf32>
      %squeeze3A_71 = vector.shape_cast %slice3A_70 : vector<1x1x1xf32> to vector<1x1xf32>
      %swap3A_72 = arith.index_cast %add3A_46 : i32 to index
      %swap3A_73 = arith.constant 6 : index
      %swap3A_74 = vector.load %arg3[%swap3A_72, %swap3A_73] : memref<1024x16xf32, #tpu.memory_space<vmem>>, vector<1x1xf32>
      tpu.vector_store %arg3[%swap3A_72, %swap3A_73], %squeeze3A_71 {strides = array<i32>} : memref<1024x16xf32, #tpu.memory_space<vmem>>, vector<1x1xf32>,
      %slice3A_75 = vector.extract_strided_slice %scan3A_24 {offsets = [2, 0, 0], sizes = [1, 1, 1], strides = [1, 1, 1]} : vector<4x1x1xf32> to vector<1x1x1xf32>
      %squeeze3A_76 = vector.shape_cast %slice3A_75 : vector<1x1x1xf32> to vector<1x1xf32>
      %swap3A_77 = arith.index_cast %add3A_46 : i32 to index
      %swap3A_78 = arith.constant 8 : index
      %swap3A_79 = vector.load %arg3[%swap3A_77, %swap3A_78] : memref<1024x16xf32, #tpu.memory_space<vmem>>, vector<1x1xf32>
      tpu.vector_store %arg3[%swap3A_77, %swap3A_78], %squeeze3A_76 {strides = array<i32>} : memref<1024x16xf32, #tpu.memory_space<vmem>>, vector<1x1xf32>,
      %slice3A_80 = vector.extract_strided_slice %scan3A_25 {offsets = [2, 0, 0], sizes = [1, 1, 1], strides = [1, 1, 1]} : vector<4x1x1xf32> to vector<1x1x1xf32>
      %squeeze3A_81 = vector.shape_cast %slice3A_80 : vector<1x1x1xf32> to vector<1x1xf32>
      %swap3A_82 = arith.index_cast %add3A_46 : i32 to index
      %swap3A_83 = arith.constant 9 : index
      %swap3A_84 = vector.load %arg3[%swap3A_82, %swap3A_83] : memref<1024x16xf32, #tpu.memory_space<vmem>>, vector<1x1xf32>
      tpu.vector_store %arg3[%swap3A_82, %swap3A_83], %squeeze3A_81 {strides = array<i32>} : memref<1024x16xf32, #tpu.memory_space<vmem>>, vector<1x1xf32>,
      %slice3A_85 = vector.extract_strided_slice %scan3A_26 {offsets = [2, 0, 0], sizes = [1, 1, 1], strides = [1, 1, 1]} : vector<4x1x1xf32> to vector<1x1x1xf32>
      %squeeze3A_86 = vector.shape_cast %slice3A_85 : vector<1x1x1xf32> to vector<1x1xf32>
      %swap3A_87 = arith.index_cast %add3A_46 : i32 to index
      %swap3A_88 = arith.constant 10 : index
      %swap3A_89 = vector.load %arg3[%swap3A_87, %swap3A_88] : memref<1024x16xf32, #tpu.memory_space<vmem>>, vector<1x1xf32>
      tpu.vector_store %arg3[%swap3A_87, %swap3A_88], %squeeze3A_86 {strides = array<i32>} : memref<1024x16xf32, #tpu.memory_space<vmem>>, vector<1x1xf32>,
      %slice3A_90 = vector.extract_strided_slice %scan3A_24 {offsets = [3, 0, 0], sizes = [1, 1, 1], strides = [1, 1, 1]} : vector<4x1x1xf32> to vector<1x1x1xf32>
      %squeeze3A_91 = vector.shape_cast %slice3A_90 : vector<1x1x1xf32> to vector<1x1xf32>
      %swap3A_92 = arith.index_cast %add3A_46 : i32 to index
      %swap3A_93 = arith.constant 12 : index
      %swap3A_94 = vector.load %arg3[%swap3A_92, %swap3A_93] : memref<1024x16xf32, #tpu.memory_space<vmem>>, vector<1x1xf32>
      tpu.vector_store %arg3[%swap3A_92, %swap3A_93], %squeeze3A_91 {strides = array<i32>} : memref<1024x16xf32, #tpu.memory_space<vmem>>, vector<1x1xf32>,
      %slice3A_95 = vector.extract_strided_slice %scan3A_25 {offsets = [3, 0, 0], sizes = [1, 1, 1], strides = [1, 1, 1]} : vector<4x1x1xf32> to vector<1x1x1xf32>
      %squeeze3A_96 = vector.shape_cast %slice3A_95 : vector<1x1x1xf32> to vector<1x1xf32>
      %swap3A_97 = arith.index_cast %add3A_46 : i32 to index
      %swap3A_98 = arith.constant 13 : index
      %swap3A_99 = vector.load %arg3[%swap3A_97, %swap3A_98] : memref<1024x16xf32, #tpu.memory_space<vmem>>, vector<1x1xf32>
      tpu.vector_store %arg3[%swap3A_97, %swap3A_98], %squeeze3A_96 {strides = array<i32>} : memref<1024x16xf32, #tpu.memory_space<vmem>>, vector<1x1xf32>,
      %slice3A_100 = vector.extract_strided_slice %scan3A_26 {offsets = [3, 0, 0], sizes = [1, 1, 1], strides = [1, 1, 1]} : vector<4x1x1xf32> to vector<1x1x1xf32>
      %squeeze3A_101 = vector.shape_cast %slice3A_100 : vector<1x1x1xf32> to vector<1x1xf32>
      %swap3A_102 = arith.index_cast %add3A_46 : i32 to index
      %swap3A_103 = arith.constant 14 : index
      %swap3A_104 = vector.load %arg3[%swap3A_102, %swap3A_103] : memref<1024x16xf32, #tpu.memory_space<vmem>>, vector<1x1xf32>
      tpu.vector_store %arg3[%swap3A_102, %swap3A_103], %squeeze3A_101 {strides = array<i32>} : memref<1024x16xf32, #tpu.memory_space<vmem>>, vector<1x1xf32>,
      %sub3A = vector.broadcast %scan3A_24 : vector<4x1x1xf32> to vector<4x64x128xf32>
      %sub3A_105 = arith.subf %get3A_30, %sub3A : vector<4x64x128xf32>
      %sub3A_106 = vector.broadcast %scan3A_25 : vector<4x1x1xf32> to vector<4x64x128xf32>
      %sub3A_107 = arith.subf %get3A_34, %sub3A_106 : vector<4x64x128xf32>
      %sub3A_108 = vector.broadcast %scan3A_26 : vector<4x1x1xf32> to vector<4x64x128xf32>
      %sub3A_109 = arith.subf %get3A_38, %sub3A_108 : vector<4x64x128xf32>
      %mul3A_110 = arith.mulf %sub3A_105, %sub3A_105 : vector<4x64x128xf32>
      %mul3A_111 = arith.mulf %sub3A_109, %sub3A_109 : vector<4x64x128xf32>
      %add3A_112 = arith.addf %mul3A_110, %mul3A_111 : vector<4x64x128xf32>
      %mul3A_113 = arith.mulf %sub3A_107, %sub3A_107 : vector<4x64x128xf32>
      %add3A_114 = arith.addf %add3A_112, %mul3A_113 : vector<4x64x128xf32>
      %min3A = arith.minimumf %get3A_42, %add3A_114 : vector<4x64x128xf32>
      %reduce_max3A = arith.constant dense<0xFF800000> : vector<4xf32>
      %reduce_max3A_115 = vector.multi_reduction <maximumf>, %min3A, %reduce_max3A [1, 2] : vector<4x64x128xf32> to vector<4xf32>
      %broadcast_in_dim3A_116 = vector.shape_cast %reduce_max3A_115 : vector<4xf32> to vector<4x1x1xf32>
      %eq3A = vector.broadcast %broadcast_in_dim3A_116 : vector<4x1x1xf32> to vector<4x64x128xf32>
      %eq3A_117 = arith.cmpf oeq, %min3A, %eq3A : vector<4x64x128xf32>
      %jit3A = arith.constant 0.000000e+00 : f32
      %broadcast_in_dim3A_118 = vector.broadcast %jit3A : f32 to vector<4x64x128xf32>
      %select_n3A = arith.select %eq3A_117, %get3A_30, %broadcast_in_dim3A_118 : vector<4x64x128xi1>, vector<4x64x128xf32>
      %reduce_sum3A = arith.constant dense<0.000000e+00> : vector<4xf32>
      %reduce_sum3A_119 = vector.multi_reduction <add>, %select_n3A, %reduce_sum3A [1, 2] : vector<4x64x128xf32> to vector<4xf32>
      %broadcast_in_dim3A_120 = vector.shape_cast %reduce_sum3A_119 : vector<4xf32> to vector<4x1x1xf32>
      %jit3A_121 = arith.constant 0.000000e+00 : f32
      %broadcast_in_dim3A_122 = vector.broadcast %jit3A_121 : f32 to vector<4x64x128xf32>
      %select_n3A_123 = arith.select %eq3A_117, %get3A_34, %broadcast_in_dim3A_122 : vector<4x64x128xi1>, vector<4x64x128xf32>
      %reduce_sum3A_124 = arith.constant dense<0.000000e+00> : vector<4xf32>
      %reduce_sum3A_125 = vector.multi_reduction <add>, %select_n3A_123, %reduce_sum3A_124 [1, 2] : vector<4x64x128xf32> to vector<4xf32>
      %broadcast_in_dim3A_126 = vector.shape_cast %reduce_sum3A_125 : vector<4xf32> to vector<4x1x1xf32>
      %jit3A_127 = arith.constant 0.000000e+00 : f32
      %broadcast_in_dim3A_128 = vector.broadcast %jit3A_127 : f32 to vector<4x64x128xf32>
      %select_n3A_129 = arith.select %eq3A_117, %get3A_38, %broadcast_in_dim3A_128 : vector<4x64x128xi1>, vector<4x64x128xf32>
      %reduce_sum3A_130 = arith.constant dense<0.000000e+00> : vector<4xf32>
      %reduce_sum3A_131 = vector.multi_reduction <add>, %select_n3A_129, %reduce_sum3A_130 [1, 2] : vector<4x64x128xf32> to vector<4xf32>
      %broadcast_in_dim3A_132 = vector.shape_cast %reduce_sum3A_131 : vector<4xf32> to vector<4x1x1xf32>
      %jit3A_133 = arith.constant 1 : i32
      %jit3A_134 = arith.constant 0 : i32
      %broadcast_in_dim3A_135 = vector.broadcast %jit3A_133 : i32 to vector<4x64x128xi32>
      %broadcast_in_dim3A_136 = vector.broadcast %jit3A_134 : i32 to vector<4x64x128xi32>
      %select_n3A_137 = arith.select %eq3A_117, %broadcast_in_dim3A_135, %broadcast_in_dim3A_136 : vector<4x64x128xi1>, vector<4x64x128xi32>
      %reduce_sum3A_138 = arith.constant dense<0> : vector<4xi32>
      %reduce_sum3A_139 = vector.multi_reduction <add>, %select_n3A_137, %reduce_sum3A_138 [1, 2] : vector<4x64x128xi32> to vector<4xi32>
      %broadcast_in_dim3A_140 = vector.shape_cast %reduce_sum3A_139 : vector<4xi32> to vector<4x1x1xi32>
      %reduce_max3A_141 = vector.shape_cast %broadcast_in_dim3A_140 : vector<4x1x1xi32> to vector<1x4x1x1xi32>
      %reduce_max3A_142 = arith.constant dense<-2147483648> : vector<1xi32>
      %reduce_max3A_143 = vector.multi_reduction <maxsi>, %reduce_max3A_141, %reduce_max3A_142 [1, 2, 3] : vector<1x4x1x1xi32> to vector<1xi32>
      %reduce_max3A_144 = vector.shape_cast %reduce_max3A_143 : vector<1xi32> to vector<1x1x1x1xi32>
      %reduce_max3A_145 = vector.extract %reduce_max3A_144[0, 0, 0, 0] : i32 from vector<1x1x1x1xi32>
      %gt3A = arith.constant 1 : i32
      %gt3A_146 = arith.cmpi sgt, %reduce_max3A_145, %gt3A : i32
      %convert_element_type3A = arith.extui %gt3A_146 : i1 to i32
      %cond3A = arith.constant 0 : i32
      %cond3A_147 = arith.cmpi ne, %convert_element_type3A, %cond3A : i32
      %cond3A_148:3 = scf.if %cond3A_147 -> (vector<4x1x1xf32>, vector<4x1x1xf32>, vector<4x1x1xf32>) {
        %jit3A_507 = arith.constant 8192 : i32
        %broadcast_in_dim3A_508 = vector.broadcast %jit3A_507 : i32 to vector<4x64x128xi32>
        %select_n3A_509 = arith.select %eq3A_117, %add3A, %broadcast_in_dim3A_508 : vector<4x64x128xi1>, vector<4x64x128xi32>
        %reduce_min3A = arith.constant dense<2147483647> : vector<4xi32>
        %reduce_min3A_510 = vector.multi_reduction <minsi>, %select_n3A_509, %reduce_min3A [1, 2] : vector<4x64x128xi32> to vector<4xi32>
        %broadcast_in_dim3A_511 = vector.shape_cast %reduce_min3A_510 : vector<4xi32> to vector<4x1x1xi32>
        %eq3A_512 = vector.broadcast %broadcast_in_dim3A_511 : vector<4x1x1xi32> to vector<4x64x128xi32>
        %eq3A_513 = arith.cmpi eq, %add3A, %eq3A_512 : vector<4x64x128xi32>
        %jit3A_514 = arith.constant 0.000000e+00 : f32
        %broadcast_in_dim3A_515 = vector.broadcast %jit3A_514 : f32 to vector<4x64x128xf32>
        %select_n3A_516 = arith.select %eq3A_513, %get3A_30, %broadcast_in_dim3A_515 : vector<4x64x128xi1>, vector<4x64x128xf32>
        %reduce_sum3A_517 = arith.constant dense<0.000000e+00> : vector<4xf32>
        %reduce_sum3A_518 = vector.multi_reduction <add>, %select_n3A_516, %reduce_sum3A_517 [1, 2] : vector<4x64x128xf32> to vector<4xf32>
        %broadcast_in_dim3A_519 = vector.shape_cast %reduce_sum3A_518 : vector<4xf32> to vector<4x1x1xf32>
        %jit3A_520 = arith.constant 0.000000e+00 : f32
        %broadcast_in_dim3A_521 = vector.broadcast %jit3A_520 : f32 to vector<4x64x128xf32>
        %select_n3A_522 = arith.select %eq3A_513, %get3A_34, %broadcast_in_dim3A_521 : vector<4x64x128xi1>, vector<4x64x128xf32>
        %reduce_sum3A_523 = arith.constant dense<0.000000e+00> : vector<4xf32>
        %reduce_sum3A_524 = vector.multi_reduction <add>, %select_n3A_522, %reduce_sum3A_523 [1, 2] : vector<4x64x128xf32> to vector<4xf32>
        %broadcast_in_dim3A_525 = vector.shape_cast %reduce_sum3A_524 : vector<4xf32> to vector<4x1x1xf32>
        %jit3A_526 = arith.constant 0.000000e+00 : f32
        %broadcast_in_dim3A_527 = vector.broadcast %jit3A_526 : f32 to vector<4x64x128xf32>
        %select_n3A_528 = arith.select %eq3A_513, %get3A_38, %broadcast_in_dim3A_527 : vector<4x64x128xi1>, vector<4x64x128xf32>
        %reduce_sum3A_529 = arith.constant dense<0.000000e+00> : vector<4xf32>
        %reduce_sum3A_530 = vector.multi_reduction <add>, %select_n3A_528, %reduce_sum3A_529 [1, 2] : vector<4x64x128xf32> to vector<4xf32>
        %broadcast_in_dim3A_531 = vector.shape_cast %reduce_sum3A_530 : vector<4xf32> to vector<4x1x1xf32>
        scf.yield %broadcast_in_dim3A_519, %broadcast_in_dim3A_525, %broadcast_in_dim3A_531 : vector<4x1x1xf32>, vector<4x1x1xf32>, vector<4x1x1xf32>
      } else {
        scf.yield %broadcast_in_dim3A_120, %broadcast_in_dim3A_126, %broadcast_in_dim3A_132 : vector<4x1x1xf32>, vector<4x1x1xf32>, vector<4x1x1xf32>
      }
      %mul3A_149 = arith.constant 4 : i32
      %mul3A_150 = arith.muli %mul3A_149, %scan3A_23 : i32
      %add3A_151 = arith.constant 1 : i32
      %add3A_152 = arith.addi %mul3A_150, %add3A_151 : i32
      %slice3A_153 = vector.extract_strided_slice %cond3A_148#0 {offsets = [0, 0, 0], sizes = [1, 1, 1], strides = [1, 1, 1]} : vector<4x1x1xf32> to vector<1x1x1xf32>
      %squeeze3A_154 = vector.shape_cast %slice3A_153 : vector<1x1x1xf32> to vector<1x1xf32>
      %swap3A_155 = arith.index_cast %add3A_152 : i32 to index
      %swap3A_156 = arith.constant 0 : index
      %swap3A_157 = vector.load %arg3[%swap3A_155, %swap3A_156] : memref<1024x16xf32, #tpu.memory_space<vmem>>, vector<1x1xf32>
      tpu.vector_store %arg3[%swap3A_155, %swap3A_156], %squeeze3A_154 {strides = array<i32>} : memref<1024x16xf32, #tpu.memory_space<vmem>>, vector<1x1xf32>,
      %slice3A_158 = vector.extract_strided_slice %cond3A_148#1 {offsets = [0, 0, 0], sizes = [1, 1, 1], strides = [1, 1, 1]} : vector<4x1x1xf32> to vector<1x1x1xf32>
      %squeeze3A_159 = vector.shape_cast %slice3A_158 : vector<1x1x1xf32> to vector<1x1xf32>
      %swap3A_160 = arith.index_cast %add3A_152 : i32 to index
      %swap3A_161 = arith.constant 1 : index
      %swap3A_162 = vector.load %arg3[%swap3A_160, %swap3A_161] : memref<1024x16xf32, #tpu.memory_space<vmem>>, vector<1x1xf32>
      tpu.vector_store %arg3[%swap3A_160, %swap3A_161], %squeeze3A_159 {strides = array<i32>} : memref<1024x16xf32, #tpu.memory_space<vmem>>, vector<1x1xf32>,
      %slice3A_163 = vector.extract_strided_slice %cond3A_148#2 {offsets = [0, 0, 0], sizes = [1, 1, 1], strides = [1, 1, 1]} : vector<4x1x1xf32> to vector<1x1x1xf32>
      %squeeze3A_164 = vector.shape_cast %slice3A_163 : vector<1x1x1xf32> to vector<1x1xf32>
      %swap3A_165 = arith.index_cast %add3A_152 : i32 to index
      %swap3A_166 = arith.constant 2 : index
      %swap3A_167 = vector.load %arg3[%swap3A_165, %swap3A_166] : memref<1024x16xf32, #tpu.memory_space<vmem>>, vector<1x1xf32>
      tpu.vector_store %arg3[%swap3A_165, %swap3A_166], %squeeze3A_164 {strides = array<i32>} : memref<1024x16xf32, #tpu.memory_space<vmem>>, vector<1x1xf32>,
      %slice3A_168 = vector.extract_strided_slice %cond3A_148#0 {offsets = [1, 0, 0], sizes = [1, 1, 1], strides = [1, 1, 1]} : vector<4x1x1xf32> to vector<1x1x1xf32>
      %squeeze3A_169 = vector.shape_cast %slice3A_168 : vector<1x1x1xf32> to vector<1x1xf32>
      %swap3A_170 = arith.index_cast %add3A_152 : i32 to index
      %swap3A_171 = arith.constant 4 : index
      %swap3A_172 = vector.load %arg3[%swap3A_170, %swap3A_171] : memref<1024x16xf32, #tpu.memory_space<vmem>>, vector<1x1xf32>
      tpu.vector_store %arg3[%swap3A_170, %swap3A_171], %squeeze3A_169 {strides = array<i32>} : memref<1024x16xf32, #tpu.memory_space<vmem>>, vector<1x1xf32>,
      %slice3A_173 = vector.extract_strided_slice %cond3A_148#1 {offsets = [1, 0, 0], sizes = [1, 1, 1], strides = [1, 1, 1]} : vector<4x1x1xf32> to vector<1x1x1xf32>
      %squeeze3A_174 = vector.shape_cast %slice3A_173 : vector<1x1x1xf32> to vector<1x1xf32>
      %swap3A_175 = arith.index_cast %add3A_152 : i32 to index
      %swap3A_176 = arith.constant 5 : index
      %swap3A_177 = vector.load %arg3[%swap3A_175, %swap3A_176] : memref<1024x16xf32, #tpu.memory_space<vmem>>, vector<1x1xf32>
      tpu.vector_store %arg3[%swap3A_175, %swap3A_176], %squeeze3A_174 {strides = array<i32>} : memref<1024x16xf32, #tpu.memory_space<vmem>>, vector<1x1xf32>,
      %slice3A_178 = vector.extract_strided_slice %cond3A_148#2 {offsets = [1, 0, 0], sizes = [1, 1, 1], strides = [1, 1, 1]} : vector<4x1x1xf32> to vector<1x1x1xf32>
      %squeeze3A_179 = vector.shape_cast %slice3A_178 : vector<1x1x1xf32> to vector<1x1xf32>
      %swap3A_180 = arith.index_cast %add3A_152 : i32 to index
      %swap3A_181 = arith.constant 6 : index
      %swap3A_182 = vector.load %arg3[%swap3A_180, %swap3A_181] : memref<1024x16xf32, #tpu.memory_space<vmem>>, vector<1x1xf32>
      tpu.vector_store %arg3[%swap3A_180, %swap3A_181], %squeeze3A_179 {strides = array<i32>} : memref<1024x16xf32, #tpu.memory_space<vmem>>, vector<1x1xf32>,
      %slice3A_183 = vector.extract_strided_slice %cond3A_148#0 {offsets = [2, 0, 0], sizes = [1, 1, 1], strides = [1, 1, 1]} : vector<4x1x1xf32> to vector<1x1x1xf32>
      %squeeze3A_184 = vector.shape_cast %slice3A_183 : vector<1x1x1xf32> to vector<1x1xf32>
      %swap3A_185 = arith.index_cast %add3A_152 : i32 to index
      %swap3A_186 = arith.constant 8 : index
      %swap3A_187 = vector.load %arg3[%swap3A_185, %swap3A_186] : memref<1024x16xf32, #tpu.memory_space<vmem>>, vector<1x1xf32>
      tpu.vector_store %arg3[%swap3A_185, %swap3A_186], %squeeze3A_184 {strides = array<i32>} : memref<1024x16xf32, #tpu.memory_space<vmem>>, vector<1x1xf32>,
      %slice3A_188 = vector.extract_strided_slice %cond3A_148#1 {offsets = [2, 0, 0], sizes = [1, 1, 1], strides = [1, 1, 1]} : vector<4x1x1xf32> to vector<1x1x1xf32>
      %squeeze3A_189 = vector.shape_cast %slice3A_188 : vector<1x1x1xf32> to vector<1x1xf32>
      %swap3A_190 = arith.index_cast %add3A_152 : i32 to index
      %swap3A_191 = arith.constant 9 : index
      %swap3A_192 = vector.load %arg3[%swap3A_190, %swap3A_191] : memref<1024x16xf32, #tpu.memory_space<vmem>>, vector<1x1xf32>
      tpu.vector_store %arg3[%swap3A_190, %swap3A_191], %squeeze3A_189 {strides = array<i32>} : memref<1024x16xf32, #tpu.memory_space<vmem>>, vector<1x1xf32>,
      %slice3A_193 = vector.extract_strided_slice %cond3A_148#2 {offsets = [2, 0, 0], sizes = [1, 1, 1], strides = [1, 1, 1]} : vector<4x1x1xf32> to vector<1x1x1xf32>
      %squeeze3A_194 = vector.shape_cast %slice3A_193 : vector<1x1x1xf32> to vector<1x1xf32>
      %swap3A_195 = arith.index_cast %add3A_152 : i32 to index
      %swap3A_196 = arith.constant 10 : index
      %swap3A_197 = vector.load %arg3[%swap3A_195, %swap3A_196] : memref<1024x16xf32, #tpu.memory_space<vmem>>, vector<1x1xf32>
      tpu.vector_store %arg3[%swap3A_195, %swap3A_196], %squeeze3A_194 {strides = array<i32>} : memref<1024x16xf32, #tpu.memory_space<vmem>>, vector<1x1xf32>,
      %slice3A_198 = vector.extract_strided_slice %cond3A_148#0 {offsets = [3, 0, 0], sizes = [1, 1, 1], strides = [1, 1, 1]} : vector<4x1x1xf32> to vector<1x1x1xf32>
      %squeeze3A_199 = vector.shape_cast %slice3A_198 : vector<1x1x1xf32> to vector<1x1xf32>
      %swap3A_200 = arith.index_cast %add3A_152 : i32 to index
      %swap3A_201 = arith.constant 12 : index
      %swap3A_202 = vector.load %arg3[%swap3A_200, %swap3A_201] : memref<1024x16xf32, #tpu.memory_space<vmem>>, vector<1x1xf32>
      tpu.vector_store %arg3[%swap3A_200, %swap3A_201], %squeeze3A_199 {strides = array<i32>} : memref<1024x16xf32, #tpu.memory_space<vmem>>, vector<1x1xf32>,
      %slice3A_203 = vector.extract_strided_slice %cond3A_148#1 {offsets = [3, 0, 0], sizes = [1, 1, 1], strides = [1, 1, 1]} : vector<4x1x1xf32> to vector<1x1x1xf32>
      %squeeze3A_204 = vector.shape_cast %slice3A_203 : vector<1x1x1xf32> to vector<1x1xf32>
      %swap3A_205 = arith.index_cast %add3A_152 : i32 to index
      %swap3A_206 = arith.constant 13 : index
      %swap3A_207 = vector.load %arg3[%swap3A_205, %swap3A_206] : memref<1024x16xf32, #tpu.memory_space<vmem>>, vector<1x1xf32>
      tpu.vector_store %arg3[%swap3A_205, %swap3A_206], %squeeze3A_204 {strides = array<i32>} : memref<1024x16xf32, #tpu.memory_space<vmem>>, vector<1x1xf32>,
      %slice3A_208 = vector.extract_strided_slice %cond3A_148#2 {offsets = [3, 0, 0], sizes = [1, 1, 1], strides = [1, 1, 1]} : vector<4x1x1xf32> to vector<1x1x1xf32>
      %squeeze3A_209 = vector.shape_cast %slice3A_208 : vector<1x1x1xf32> to vector<1x1xf32>
      %swap3A_210 = arith.index_cast %add3A_152 : i32 to index
      %swap3A_211 = arith.constant 14 : index
      %swap3A_212 = vector.load %arg3[%swap3A_210, %swap3A_211] : memref<1024x16xf32, #tpu.memory_space<vmem>>, vector<1x1xf32>
      tpu.vector_store %arg3[%swap3A_210, %swap3A_211], %squeeze3A_209 {strides = array<i32>} : memref<1024x16xf32, #tpu.memory_space<vmem>>, vector<1x1xf32>,
      %sub3A_213 = vector.broadcast %cond3A_148#0 : vector<4x1x1xf32> to vector<4x64x128xf32>
      %sub3A_214 = arith.subf %get3A_30, %sub3A_213 : vector<4x64x128xf32>
      %sub3A_215 = vector.broadcast %cond3A_148#1 : vector<4x1x1xf32> to vector<4x64x128xf32>
      %sub3A_216 = arith.subf %get3A_34, %sub3A_215 : vector<4x64x128xf32>
      %sub3A_217 = vector.broadcast %cond3A_148#2 : vector<4x1x1xf32> to vector<4x64x128xf32>
      %sub3A_218 = arith.subf %get3A_38, %sub3A_217 : vector<4x64x128xf32>
      %mul3A_219 = arith.mulf %sub3A_214, %sub3A_214 : vector<4x64x128xf32>
      %mul3A_220 = arith.mulf %sub3A_218, %sub3A_218 : vector<4x64x128xf32>
      %add3A_221 = arith.addf %mul3A_219, %mul3A_220 : vector<4x64x128xf32>
      %mul3A_222 = arith.mulf %sub3A_216, %sub3A_216 : vector<4x64x128xf32>
      %add3A_223 = arith.addf %add3A_221, %mul3A_222 : vector<4x64x128xf32>
      %min3A_224 = arith.minimumf %min3A, %add3A_223 : vector<4x64x128xf32>
      %reduce_max3A_225 = arith.constant dense<0xFF800000> : vector<4xf32>
      %reduce_max3A_226 = vector.multi_reduction <maximumf>, %min3A_224, %reduce_max3A_225 [1, 2] : vector<4x64x128xf32> to vector<4xf32>
      %broadcast_in_dim3A_227 = vector.shape_cast %reduce_max3A_226 : vector<4xf32> to vector<4x1x1xf32>
      %eq3A_228 = vector.broadcast %broadcast_in_dim3A_227 : vector<4x1x1xf32> to vector<4x64x128xf32>
      %eq3A_229 = arith.cmpf oeq, %min3A_224, %eq3A_228 : vector<4x64x128xf32>
      %jit3A_230 = arith.constant 0.000000e+00 : f32
      %broadcast_in_dim3A_231 = vector.broadcast %jit3A_230 : f32 to vector<4x64x128xf32>
      %select_n3A_232 = arith.select %eq3A_229, %get3A_30, %broadcast_in_dim3A_231 : vector<4x64x128xi1>, vector<4x64x128xf32>
      %reduce_sum3A_233 = arith.constant dense<0.000000e+00> : vector<4xf32>
      %reduce_sum3A_234 = vector.multi_reduction <add>, %select_n3A_232, %reduce_sum3A_233 [1, 2] : vector<4x64x128xf32> to vector<4xf32>
      %broadcast_in_dim3A_235 = vector.shape_cast %reduce_sum3A_234 : vector<4xf32> to vector<4x1x1xf32>
      %jit3A_236 = arith.constant 0.000000e+00 : f32
      %broadcast_in_dim3A_237 = vector.broadcast %jit3A_236 : f32 to vector<4x64x128xf32>
      %select_n3A_238 = arith.select %eq3A_229, %get3A_34, %broadcast_in_dim3A_237 : vector<4x64x128xi1>, vector<4x64x128xf32>
      %reduce_sum3A_239 = arith.constant dense<0.000000e+00> : vector<4xf32>
      %reduce_sum3A_240 = vector.multi_reduction <add>, %select_n3A_238, %reduce_sum3A_239 [1, 2] : vector<4x64x128xf32> to vector<4xf32>
      %broadcast_in_dim3A_241 = vector.shape_cast %reduce_sum3A_240 : vector<4xf32> to vector<4x1x1xf32>
      %jit3A_242 = arith.constant 0.000000e+00 : f32
      %broadcast_in_dim3A_243 = vector.broadcast %jit3A_242 : f32 to vector<4x64x128xf32>
      %select_n3A_244 = arith.select %eq3A_229, %get3A_38, %broadcast_in_dim3A_243 : vector<4x64x128xi1>, vector<4x64x128xf32>
      %reduce_sum3A_245 = arith.constant dense<0.000000e+00> : vector<4xf32>
      %reduce_sum3A_246 = vector.multi_reduction <add>, %select_n3A_244, %reduce_sum3A_245 [1, 2] : vector<4x64x128xf32> to vector<4xf32>
      %broadcast_in_dim3A_247 = vector.shape_cast %reduce_sum3A_246 : vector<4xf32> to vector<4x1x1xf32>
      %jit3A_248 = arith.constant 1 : i32
      %jit3A_249 = arith.constant 0 : i32
      %broadcast_in_dim3A_250 = vector.broadcast %jit3A_248 : i32 to vector<4x64x128xi32>
      %broadcast_in_dim3A_251 = vector.broadcast %jit3A_249 : i32 to vector<4x64x128xi32>
      %select_n3A_252 = arith.select %eq3A_229, %broadcast_in_dim3A_250, %broadcast_in_dim3A_251 : vector<4x64x128xi1>, vector<4x64x128xi32>
      %reduce_sum3A_253 = arith.constant dense<0> : vector<4xi32>
      %reduce_sum3A_254 = vector.multi_reduction <add>, %select_n3A_252, %reduce_sum3A_253 [1, 2] : vector<4x64x128xi32> to vector<4xi32>
      %broadcast_in_dim3A_255 = vector.shape_cast %reduce_sum3A_254 : vector<4xi32> to vector<4x1x1xi32>
      %reduce_max3A_256 = vector.shape_cast %broadcast_in_dim3A_255 : vector<4x1x1xi32> to vector<1x4x1x1xi32>
      %reduce_max3A_257 = arith.constant dense<-2147483648> : vector<1xi32>
      %reduce_max3A_258 = vector.multi_reduction <maxsi>, %reduce_max3A_256, %reduce_max3A_257 [1, 2, 3] : vector<1x4x1x1xi32> to vector<1xi32>
      %reduce_max3A_259 = vector.shape_cast %reduce_max3A_258 : vector<1xi32> to vector<1x1x1x1xi32>
      %reduce_max3A_260 = vector.extract %reduce_max3A_259[0, 0, 0, 0] : i32 from vector<1x1x1x1xi32>
      %gt3A_261 = arith.constant 1 : i32
      %gt3A_262 = arith.cmpi sgt, %reduce_max3A_260, %gt3A_261 : i32
      %convert_element_type3A_263 = arith.extui %gt3A_262 : i1 to i32
      %cond3A_264 = arith.constant 0 : i32
      %cond3A_265 = arith.cmpi ne, %convert_element_type3A_263, %cond3A_264 : i32
      %cond3A_266:3 = scf.if %cond3A_265 -> (vector<4x1x1xf32>, vector<4x1x1xf32>, vector<4x1x1xf32>) {
        %jit3A_507 = arith.constant 8192 : i32
        %broadcast_in_dim3A_508 = vector.broadcast %jit3A_507 : i32 to vector<4x64x128xi32>
        %select_n3A_509 = arith.select %eq3A_229, %add3A, %broadcast_in_dim3A_508 : vector<4x64x128xi1>, vector<4x64x128xi32>
        %reduce_min3A = arith.constant dense<2147483647> : vector<4xi32>
        %reduce_min3A_510 = vector.multi_reduction <minsi>, %select_n3A_509, %reduce_min3A [1, 2] : vector<4x64x128xi32> to vector<4xi32>
        %broadcast_in_dim3A_511 = vector.shape_cast %reduce_min3A_510 : vector<4xi32> to vector<4x1x1xi32>
        %eq3A_512 = vector.broadcast %broadcast_in_dim3A_511 : vector<4x1x1xi32> to vector<4x64x128xi32>
        %eq3A_513 = arith.cmpi eq, %add3A, %eq3A_512 : vector<4x64x128xi32>
        %jit3A_514 = arith.constant 0.000000e+00 : f32
        %broadcast_in_dim3A_515 = vector.broadcast %jit3A_514 : f32 to vector<4x64x128xf32>
        %select_n3A_516 = arith.select %eq3A_513, %get3A_30, %broadcast_in_dim3A_515 : vector<4x64x128xi1>, vector<4x64x128xf32>
        %reduce_sum3A_517 = arith.constant dense<0.000000e+00> : vector<4xf32>
        %reduce_sum3A_518 = vector.multi_reduction <add>, %select_n3A_516, %reduce_sum3A_517 [1, 2] : vector<4x64x128xf32> to vector<4xf32>
        %broadcast_in_dim3A_519 = vector.shape_cast %reduce_sum3A_518 : vector<4xf32> to vector<4x1x1xf32>
        %jit3A_520 = arith.constant 0.000000e+00 : f32
        %broadcast_in_dim3A_521 = vector.broadcast %jit3A_520 : f32 to vector<4x64x128xf32>
        %select_n3A_522 = arith.select %eq3A_513, %get3A_34, %broadcast_in_dim3A_521 : vector<4x64x128xi1>, vector<4x64x128xf32>
        %reduce_sum3A_523 = arith.constant dense<0.000000e+00> : vector<4xf32>
        %reduce_sum3A_524 = vector.multi_reduction <add>, %select_n3A_522, %reduce_sum3A_523 [1, 2] : vector<4x64x128xf32> to vector<4xf32>
        %broadcast_in_dim3A_525 = vector.shape_cast %reduce_sum3A_524 : vector<4xf32> to vector<4x1x1xf32>
        %jit3A_526 = arith.constant 0.000000e+00 : f32
        %broadcast_in_dim3A_527 = vector.broadcast %jit3A_526 : f32 to vector<4x64x128xf32>
        %select_n3A_528 = arith.select %eq3A_513, %get3A_38, %broadcast_in_dim3A_527 : vector<4x64x128xi1>, vector<4x64x128xf32>
        %reduce_sum3A_529 = arith.constant dense<0.000000e+00> : vector<4xf32>
        %reduce_sum3A_530 = vector.multi_reduction <add>, %select_n3A_528, %reduce_sum3A_529 [1, 2] : vector<4x64x128xf32> to vector<4xf32>
        %broadcast_in_dim3A_531 = vector.shape_cast %reduce_sum3A_530 : vector<4xf32> to vector<4x1x1xf32>
        scf.yield %broadcast_in_dim3A_519, %broadcast_in_dim3A_525, %broadcast_in_dim3A_531 : vector<4x1x1xf32>, vector<4x1x1xf32>, vector<4x1x1xf32>
      } else {
        scf.yield %broadcast_in_dim3A_235, %broadcast_in_dim3A_241, %broadcast_in_dim3A_247 : vector<4x1x1xf32>, vector<4x1x1xf32>, vector<4x1x1xf32>
      }
      %mul3A_267 = arith.constant 4 : i32
      %mul3A_268 = arith.muli %mul3A_267, %scan3A_23 : i32
      %add3A_269 = arith.constant 2 : i32
      %add3A_270 = arith.addi %mul3A_268, %add3A_269 : i32
      %slice3A_271 = vector.extract_strided_slice %cond3A_266#0 {offsets = [0, 0, 0], sizes = [1, 1, 1], strides = [1, 1, 1]} : vector<4x1x1xf32> to vector<1x1x1xf32>
      %squeeze3A_272 = vector.shape_cast %slice3A_271 : vector<1x1x1xf32> to vector<1x1xf32>
      %swap3A_273 = arith.index_cast %add3A_270 : i32 to index
      %swap3A_274 = arith.constant 0 : index
      %swap3A_275 = vector.load %arg3[%swap3A_273, %swap3A_274] : memref<1024x16xf32, #tpu.memory_space<vmem>>, vector<1x1xf32>
      tpu.vector_store %arg3[%swap3A_273, %swap3A_274], %squeeze3A_272 {strides = array<i32>} : memref<1024x16xf32, #tpu.memory_space<vmem>>, vector<1x1xf32>,
      %slice3A_276 = vector.extract_strided_slice %cond3A_266#1 {offsets = [0, 0, 0], sizes = [1, 1, 1], strides = [1, 1, 1]} : vector<4x1x1xf32> to vector<1x1x1xf32>
      %squeeze3A_277 = vector.shape_cast %slice3A_276 : vector<1x1x1xf32> to vector<1x1xf32>
      %swap3A_278 = arith.index_cast %add3A_270 : i32 to index
      %swap3A_279 = arith.constant 1 : index
      %swap3A_280 = vector.load %arg3[%swap3A_278, %swap3A_279] : memref<1024x16xf32, #tpu.memory_space<vmem>>, vector<1x1xf32>
      tpu.vector_store %arg3[%swap3A_278, %swap3A_279], %squeeze3A_277 {strides = array<i32>} : memref<1024x16xf32, #tpu.memory_space<vmem>>, vector<1x1xf32>,
      %slice3A_281 = vector.extract_strided_slice %cond3A_266#2 {offsets = [0, 0, 0], sizes = [1, 1, 1], strides = [1, 1, 1]} : vector<4x1x1xf32> to vector<1x1x1xf32>
      %squeeze3A_282 = vector.shape_cast %slice3A_281 : vector<1x1x1xf32> to vector<1x1xf32>
      %swap3A_283 = arith.index_cast %add3A_270 : i32 to index
      %swap3A_284 = arith.constant 2 : index
      %swap3A_285 = vector.load %arg3[%swap3A_283, %swap3A_284] : memref<1024x16xf32, #tpu.memory_space<vmem>>, vector<1x1xf32>
      tpu.vector_store %arg3[%swap3A_283, %swap3A_284], %squeeze3A_282 {strides = array<i32>} : memref<1024x16xf32, #tpu.memory_space<vmem>>, vector<1x1xf32>,
      %slice3A_286 = vector.extract_strided_slice %cond3A_266#0 {offsets = [1, 0, 0], sizes = [1, 1, 1], strides = [1, 1, 1]} : vector<4x1x1xf32> to vector<1x1x1xf32>
      %squeeze3A_287 = vector.shape_cast %slice3A_286 : vector<1x1x1xf32> to vector<1x1xf32>
      %swap3A_288 = arith.index_cast %add3A_270 : i32 to index
      %swap3A_289 = arith.constant 4 : index
      %swap3A_290 = vector.load %arg3[%swap3A_288, %swap3A_289] : memref<1024x16xf32, #tpu.memory_space<vmem>>, vector<1x1xf32>
      tpu.vector_store %arg3[%swap3A_288, %swap3A_289], %squeeze3A_287 {strides = array<i32>} : memref<1024x16xf32, #tpu.memory_space<vmem>>, vector<1x1xf32>,
      %slice3A_291 = vector.extract_strided_slice %cond3A_266#1 {offsets = [1, 0, 0], sizes = [1, 1, 1], strides = [1, 1, 1]} : vector<4x1x1xf32> to vector<1x1x1xf32>
      %squeeze3A_292 = vector.shape_cast %slice3A_291 : vector<1x1x1xf32> to vector<1x1xf32>
      %swap3A_293 = arith.index_cast %add3A_270 : i32 to index
      %swap3A_294 = arith.constant 5 : index
      %swap3A_295 = vector.load %arg3[%swap3A_293, %swap3A_294] : memref<1024x16xf32, #tpu.memory_space<vmem>>, vector<1x1xf32>
      tpu.vector_store %arg3[%swap3A_293, %swap3A_294], %squeeze3A_292 {strides = array<i32>} : memref<1024x16xf32, #tpu.memory_space<vmem>>, vector<1x1xf32>,
      %slice3A_296 = vector.extract_strided_slice %cond3A_266#2 {offsets = [1, 0, 0], sizes = [1, 1, 1], strides = [1, 1, 1]} : vector<4x1x1xf32> to vector<1x1x1xf32>
      %squeeze3A_297 = vector.shape_cast %slice3A_296 : vector<1x1x1xf32> to vector<1x1xf32>
      %swap3A_298 = arith.index_cast %add3A_270 : i32 to index
      %swap3A_299 = arith.constant 6 : index
      %swap3A_300 = vector.load %arg3[%swap3A_298, %swap3A_299] : memref<1024x16xf32, #tpu.memory_space<vmem>>, vector<1x1xf32>
      tpu.vector_store %arg3[%swap3A_298, %swap3A_299], %squeeze3A_297 {strides = array<i32>} : memref<1024x16xf32, #tpu.memory_space<vmem>>, vector<1x1xf32>,
      %slice3A_301 = vector.extract_strided_slice %cond3A_266#0 {offsets = [2, 0, 0], sizes = [1, 1, 1], strides = [1, 1, 1]} : vector<4x1x1xf32> to vector<1x1x1xf32>
      %squeeze3A_302 = vector.shape_cast %slice3A_301 : vector<1x1x1xf32> to vector<1x1xf32>
      %swap3A_303 = arith.index_cast %add3A_270 : i32 to index
      %swap3A_304 = arith.constant 8 : index
      %swap3A_305 = vector.load %arg3[%swap3A_303, %swap3A_304] : memref<1024x16xf32, #tpu.memory_space<vmem>>, vector<1x1xf32>
      tpu.vector_store %arg3[%swap3A_303, %swap3A_304], %squeeze3A_302 {strides = array<i32>} : memref<1024x16xf32, #tpu.memory_space<vmem>>, vector<1x1xf32>,
      %slice3A_306 = vector.extract_strided_slice %cond3A_266#1 {offsets = [2, 0, 0], sizes = [1, 1, 1], strides = [1, 1, 1]} : vector<4x1x1xf32> to vector<1x1x1xf32>
      %squeeze3A_307 = vector.shape_cast %slice3A_306 : vector<1x1x1xf32> to vector<1x1xf32>
      %swap3A_308 = arith.index_cast %add3A_270 : i32 to index
      %swap3A_309 = arith.constant 9 : index
      %swap3A_310 = vector.load %arg3[%swap3A_308, %swap3A_309] : memref<1024x16xf32, #tpu.memory_space<vmem>>, vector<1x1xf32>
      tpu.vector_store %arg3[%swap3A_308, %swap3A_309], %squeeze3A_307 {strides = array<i32>} : memref<1024x16xf32, #tpu.memory_space<vmem>>, vector<1x1xf32>,
      %slice3A_311 = vector.extract_strided_slice %cond3A_266#2 {offsets = [2, 0, 0], sizes = [1, 1, 1], strides = [1, 1, 1]} : vector<4x1x1xf32> to vector<1x1x1xf32>
      %squeeze3A_312 = vector.shape_cast %slice3A_311 : vector<1x1x1xf32> to vector<1x1xf32>
      %swap3A_313 = arith.index_cast %add3A_270 : i32 to index
      %swap3A_314 = arith.constant 10 : index
      %swap3A_315 = vector.load %arg3[%swap3A_313, %swap3A_314] : memref<1024x16xf32, #tpu.memory_space<vmem>>, vector<1x1xf32>
      tpu.vector_store %arg3[%swap3A_313, %swap3A_314], %squeeze3A_312 {strides = array<i32>} : memref<1024x16xf32, #tpu.memory_space<vmem>>, vector<1x1xf32>,
      %slice3A_316 = vector.extract_strided_slice %cond3A_266#0 {offsets = [3, 0, 0], sizes = [1, 1, 1], strides = [1, 1, 1]} : vector<4x1x1xf32> to vector<1x1x1xf32>
      %squeeze3A_317 = vector.shape_cast %slice3A_316 : vector<1x1x1xf32> to vector<1x1xf32>
      %swap3A_318 = arith.index_cast %add3A_270 : i32 to index
      %swap3A_319 = arith.constant 12 : index
      %swap3A_320 = vector.load %arg3[%swap3A_318, %swap3A_319] : memref<1024x16xf32, #tpu.memory_space<vmem>>, vector<1x1xf32>
      tpu.vector_store %arg3[%swap3A_318, %swap3A_319], %squeeze3A_317 {strides = array<i32>} : memref<1024x16xf32, #tpu.memory_space<vmem>>, vector<1x1xf32>,
      %slice3A_321 = vector.extract_strided_slice %cond3A_266#1 {offsets = [3, 0, 0], sizes = [1, 1, 1], strides = [1, 1, 1]} : vector<4x1x1xf32> to vector<1x1x1xf32>
      %squeeze3A_322 = vector.shape_cast %slice3A_321 : vector<1x1x1xf32> to vector<1x1xf32>
      %swap3A_323 = arith.index_cast %add3A_270 : i32 to index
      %swap3A_324 = arith.constant 13 : index
      %swap3A_325 = vector.load %arg3[%swap3A_323, %swap3A_324] : memref<1024x16xf32, #tpu.memory_space<vmem>>, vector<1x1xf32>
      tpu.vector_store %arg3[%swap3A_323, %swap3A_324], %squeeze3A_322 {strides = array<i32>} : memref<1024x16xf32, #tpu.memory_space<vmem>>, vector<1x1xf32>,
      %slice3A_326 = vector.extract_strided_slice %cond3A_266#2 {offsets = [3, 0, 0], sizes = [1, 1, 1], strides = [1, 1, 1]} : vector<4x1x1xf32> to vector<1x1x1xf32>
      %squeeze3A_327 = vector.shape_cast %slice3A_326 : vector<1x1x1xf32> to vector<1x1xf32>
      %swap3A_328 = arith.index_cast %add3A_270 : i32 to index
      %swap3A_329 = arith.constant 14 : index
      %swap3A_330 = vector.load %arg3[%swap3A_328, %swap3A_329] : memref<1024x16xf32, #tpu.memory_space<vmem>>, vector<1x1xf32>
      tpu.vector_store %arg3[%swap3A_328, %swap3A_329], %squeeze3A_327 {strides = array<i32>} : memref<1024x16xf32, #tpu.memory_space<vmem>>, vector<1x1xf32>,
      %sub3A_331 = vector.broadcast %cond3A_266#0 : vector<4x1x1xf32> to vector<4x64x128xf32>
      %sub3A_332 = arith.subf %get3A_30, %sub3A_331 : vector<4x64x128xf32>
      %sub3A_333 = vector.broadcast %cond3A_266#1 : vector<4x1x1xf32> to vector<4x64x128xf32>
      %sub3A_334 = arith.subf %get3A_34, %sub3A_333 : vector<4x64x128xf32>
      %sub3A_335 = vector.broadcast %cond3A_266#2 : vector<4x1x1xf32> to vector<4x64x128xf32>
      %sub3A_336 = arith.subf %get3A_38, %sub3A_335 : vector<4x64x128xf32>
      %mul3A_337 = arith.mulf %sub3A_332, %sub3A_332 : vector<4x64x128xf32>
      %mul3A_338 = arith.mulf %sub3A_336, %sub3A_336 : vector<4x64x128xf32>
      %add3A_339 = arith.addf %mul3A_337, %mul3A_338 : vector<4x64x128xf32>
      %mul3A_340 = arith.mulf %sub3A_334, %sub3A_334 : vector<4x64x128xf32>
      %add3A_341 = arith.addf %add3A_339, %mul3A_340 : vector<4x64x128xf32>
      %min3A_342 = arith.minimumf %min3A_224, %add3A_341 : vector<4x64x128xf32>
      %reduce_max3A_343 = arith.constant dense<0xFF800000> : vector<4xf32>
      %reduce_max3A_344 = vector.multi_reduction <maximumf>, %min3A_342, %reduce_max3A_343 [1, 2] : vector<4x64x128xf32> to vector<4xf32>
      %broadcast_in_dim3A_345 = vector.shape_cast %reduce_max3A_344 : vector<4xf32> to vector<4x1x1xf32>
      %eq3A_346 = vector.broadcast %broadcast_in_dim3A_345 : vector<4x1x1xf32> to vector<4x64x128xf32>
      %eq3A_347 = arith.cmpf oeq, %min3A_342, %eq3A_346 : vector<4x64x128xf32>
      %jit3A_348 = arith.constant 0.000000e+00 : f32
      %broadcast_in_dim3A_349 = vector.broadcast %jit3A_348 : f32 to vector<4x64x128xf32>
      %select_n3A_350 = arith.select %eq3A_347, %get3A_30, %broadcast_in_dim3A_349 : vector<4x64x128xi1>, vector<4x64x128xf32>
      %reduce_sum3A_351 = arith.constant dense<0.000000e+00> : vector<4xf32>
      %reduce_sum3A_352 = vector.multi_reduction <add>, %select_n3A_350, %reduce_sum3A_351 [1, 2] : vector<4x64x128xf32> to vector<4xf32>
      %broadcast_in_dim3A_353 = vector.shape_cast %reduce_sum3A_352 : vector<4xf32> to vector<4x1x1xf32>
      %jit3A_354 = arith.constant 0.000000e+00 : f32
      %broadcast_in_dim3A_355 = vector.broadcast %jit3A_354 : f32 to vector<4x64x128xf32>
      %select_n3A_356 = arith.select %eq3A_347, %get3A_34, %broadcast_in_dim3A_355 : vector<4x64x128xi1>, vector<4x64x128xf32>
      %reduce_sum3A_357 = arith.constant dense<0.000000e+00> : vector<4xf32>
      %reduce_sum3A_358 = vector.multi_reduction <add>, %select_n3A_356, %reduce_sum3A_357 [1, 2] : vector<4x64x128xf32> to vector<4xf32>
      %broadcast_in_dim3A_359 = vector.shape_cast %reduce_sum3A_358 : vector<4xf32> to vector<4x1x1xf32>
      %jit3A_360 = arith.constant 0.000000e+00 : f32
      %broadcast_in_dim3A_361 = vector.broadcast %jit3A_360 : f32 to vector<4x64x128xf32>
      %select_n3A_362 = arith.select %eq3A_347, %get3A_38, %broadcast_in_dim3A_361 : vector<4x64x128xi1>, vector<4x64x128xf32>
      %reduce_sum3A_363 = arith.constant dense<0.000000e+00> : vector<4xf32>
      %reduce_sum3A_364 = vector.multi_reduction <add>, %select_n3A_362, %reduce_sum3A_363 [1, 2] : vector<4x64x128xf32> to vector<4xf32>
      %broadcast_in_dim3A_365 = vector.shape_cast %reduce_sum3A_364 : vector<4xf32> to vector<4x1x1xf32>
      %jit3A_366 = arith.constant 1 : i32
      %jit3A_367 = arith.constant 0 : i32
      %broadcast_in_dim3A_368 = vector.broadcast %jit3A_366 : i32 to vector<4x64x128xi32>
      %broadcast_in_dim3A_369 = vector.broadcast %jit3A_367 : i32 to vector<4x64x128xi32>
      %select_n3A_370 = arith.select %eq3A_347, %broadcast_in_dim3A_368, %broadcast_in_dim3A_369 : vector<4x64x128xi1>, vector<4x64x128xi32>
      %reduce_sum3A_371 = arith.constant dense<0> : vector<4xi32>
      %reduce_sum3A_372 = vector.multi_reduction <add>, %select_n3A_370, %reduce_sum3A_371 [1, 2] : vector<4x64x128xi32> to vector<4xi32>
      %broadcast_in_dim3A_373 = vector.shape_cast %reduce_sum3A_372 : vector<4xi32> to vector<4x1x1xi32>
      %reduce_max3A_374 = vector.shape_cast %broadcast_in_dim3A_373 : vector<4x1x1xi32> to vector<1x4x1x1xi32>
      %reduce_max3A_375 = arith.constant dense<-2147483648> : vector<1xi32>
      %reduce_max3A_376 = vector.multi_reduction <maxsi>, %reduce_max3A_374, %reduce_max3A_375 [1, 2, 3] : vector<1x4x1x1xi32> to vector<1xi32>
      %reduce_max3A_377 = vector.shape_cast %reduce_max3A_376 : vector<1xi32> to vector<1x1x1x1xi32>
      %reduce_max3A_378 = vector.extract %reduce_max3A_377[0, 0, 0, 0] : i32 from vector<1x1x1x1xi32>
      %gt3A_379 = arith.constant 1 : i32
      %gt3A_380 = arith.cmpi sgt, %reduce_max3A_378, %gt3A_379 : i32
      %convert_element_type3A_381 = arith.extui %gt3A_380 : i1 to i32
      %cond3A_382 = arith.constant 0 : i32
      %cond3A_383 = arith.cmpi ne, %convert_element_type3A_381, %cond3A_382 : i32
      %cond3A_384:3 = scf.if %cond3A_383 -> (vector<4x1x1xf32>, vector<4x1x1xf32>, vector<4x1x1xf32>) {
        %jit3A_507 = arith.constant 8192 : i32
        %broadcast_in_dim3A_508 = vector.broadcast %jit3A_507 : i32 to vector<4x64x128xi32>
        %select_n3A_509 = arith.select %eq3A_347, %add3A, %broadcast_in_dim3A_508 : vector<4x64x128xi1>, vector<4x64x128xi32>
        %reduce_min3A = arith.constant dense<2147483647> : vector<4xi32>
        %reduce_min3A_510 = vector.multi_reduction <minsi>, %select_n3A_509, %reduce_min3A [1, 2] : vector<4x64x128xi32> to vector<4xi32>
        %broadcast_in_dim3A_511 = vector.shape_cast %reduce_min3A_510 : vector<4xi32> to vector<4x1x1xi32>
        %eq3A_512 = vector.broadcast %broadcast_in_dim3A_511 : vector<4x1x1xi32> to vector<4x64x128xi32>
        %eq3A_513 = arith.cmpi eq, %add3A, %eq3A_512 : vector<4x64x128xi32>
        %jit3A_514 = arith.constant 0.000000e+00 : f32
        %broadcast_in_dim3A_515 = vector.broadcast %jit3A_514 : f32 to vector<4x64x128xf32>
        %select_n3A_516 = arith.select %eq3A_513, %get3A_30, %broadcast_in_dim3A_515 : vector<4x64x128xi1>, vector<4x64x128xf32>
        %reduce_sum3A_517 = arith.constant dense<0.000000e+00> : vector<4xf32>
        %reduce_sum3A_518 = vector.multi_reduction <add>, %select_n3A_516, %reduce_sum3A_517 [1, 2] : vector<4x64x128xf32> to vector<4xf32>
        %broadcast_in_dim3A_519 = vector.shape_cast %reduce_sum3A_518 : vector<4xf32> to vector<4x1x1xf32>
        %jit3A_520 = arith.constant 0.000000e+00 : f32
        %broadcast_in_dim3A_521 = vector.broadcast %jit3A_520 : f32 to vector<4x64x128xf32>
        %select_n3A_522 = arith.select %eq3A_513, %get3A_34, %broadcast_in_dim3A_521 : vector<4x64x128xi1>, vector<4x64x128xf32>
        %reduce_sum3A_523 = arith.constant dense<0.000000e+00> : vector<4xf32>
        %reduce_sum3A_524 = vector.multi_reduction <add>, %select_n3A_522, %reduce_sum3A_523 [1, 2] : vector<4x64x128xf32> to vector<4xf32>
        %broadcast_in_dim3A_525 = vector.shape_cast %reduce_sum3A_524 : vector<4xf32> to vector<4x1x1xf32>
        %jit3A_526 = arith.constant 0.000000e+00 : f32
        %broadcast_in_dim3A_527 = vector.broadcast %jit3A_526 : f32 to vector<4x64x128xf32>
        %select_n3A_528 = arith.select %eq3A_513, %get3A_38, %broadcast_in_dim3A_527 : vector<4x64x128xi1>, vector<4x64x128xf32>
        %reduce_sum3A_529 = arith.constant dense<0.000000e+00> : vector<4xf32>
        %reduce_sum3A_530 = vector.multi_reduction <add>, %select_n3A_528, %reduce_sum3A_529 [1, 2] : vector<4x64x128xf32> to vector<4xf32>
        %broadcast_in_dim3A_531 = vector.shape_cast %reduce_sum3A_530 : vector<4xf32> to vector<4x1x1xf32>
        scf.yield %broadcast_in_dim3A_519, %broadcast_in_dim3A_525, %broadcast_in_dim3A_531 : vector<4x1x1xf32>, vector<4x1x1xf32>, vector<4x1x1xf32>
      } else {
        scf.yield %broadcast_in_dim3A_353, %broadcast_in_dim3A_359, %broadcast_in_dim3A_365 : vector<4x1x1xf32>, vector<4x1x1xf32>, vector<4x1x1xf32>
      }
      %mul3A_385 = arith.constant 4 : i32
      %mul3A_386 = arith.muli %mul3A_385, %scan3A_23 : i32
      %add3A_387 = arith.constant 3 : i32
      %add3A_388 = arith.addi %mul3A_386, %add3A_387 : i32
      %slice3A_389 = vector.extract_strided_slice %cond3A_384#0 {offsets = [0, 0, 0], sizes = [1, 1, 1], strides = [1, 1, 1]} : vector<4x1x1xf32> to vector<1x1x1xf32>
      %squeeze3A_390 = vector.shape_cast %slice3A_389 : vector<1x1x1xf32> to vector<1x1xf32>
      %swap3A_391 = arith.index_cast %add3A_388 : i32 to index
      %swap3A_392 = arith.constant 0 : index
      %swap3A_393 = vector.load %arg3[%swap3A_391, %swap3A_392] : memref<1024x16xf32, #tpu.memory_space<vmem>>, vector<1x1xf32>
      tpu.vector_store %arg3[%swap3A_391, %swap3A_392], %squeeze3A_390 {strides = array<i32>} : memref<1024x16xf32, #tpu.memory_space<vmem>>, vector<1x1xf32>,
      %slice3A_394 = vector.extract_strided_slice %cond3A_384#1 {offsets = [0, 0, 0], sizes = [1, 1, 1], strides = [1, 1, 1]} : vector<4x1x1xf32> to vector<1x1x1xf32>
      %squeeze3A_395 = vector.shape_cast %slice3A_394 : vector<1x1x1xf32> to vector<1x1xf32>
      %swap3A_396 = arith.index_cast %add3A_388 : i32 to index
      %swap3A_397 = arith.constant 1 : index
      %swap3A_398 = vector.load %arg3[%swap3A_396, %swap3A_397] : memref<1024x16xf32, #tpu.memory_space<vmem>>, vector<1x1xf32>
      tpu.vector_store %arg3[%swap3A_396, %swap3A_397], %squeeze3A_395 {strides = array<i32>} : memref<1024x16xf32, #tpu.memory_space<vmem>>, vector<1x1xf32>,
      %slice3A_399 = vector.extract_strided_slice %cond3A_384#2 {offsets = [0, 0, 0], sizes = [1, 1, 1], strides = [1, 1, 1]} : vector<4x1x1xf32> to vector<1x1x1xf32>
      %squeeze3A_400 = vector.shape_cast %slice3A_399 : vector<1x1x1xf32> to vector<1x1xf32>
      %swap3A_401 = arith.index_cast %add3A_388 : i32 to index
      %swap3A_402 = arith.constant 2 : index
      %swap3A_403 = vector.load %arg3[%swap3A_401, %swap3A_402] : memref<1024x16xf32, #tpu.memory_space<vmem>>, vector<1x1xf32>
      tpu.vector_store %arg3[%swap3A_401, %swap3A_402], %squeeze3A_400 {strides = array<i32>} : memref<1024x16xf32, #tpu.memory_space<vmem>>, vector<1x1xf32>,
      %slice3A_404 = vector.extract_strided_slice %cond3A_384#0 {offsets = [1, 0, 0], sizes = [1, 1, 1], strides = [1, 1, 1]} : vector<4x1x1xf32> to vector<1x1x1xf32>
      %squeeze3A_405 = vector.shape_cast %slice3A_404 : vector<1x1x1xf32> to vector<1x1xf32>
      %swap3A_406 = arith.index_cast %add3A_388 : i32 to index
      %swap3A_407 = arith.constant 4 : index
      %swap3A_408 = vector.load %arg3[%swap3A_406, %swap3A_407] : memref<1024x16xf32, #tpu.memory_space<vmem>>, vector<1x1xf32>
      tpu.vector_store %arg3[%swap3A_406, %swap3A_407], %squeeze3A_405 {strides = array<i32>} : memref<1024x16xf32, #tpu.memory_space<vmem>>, vector<1x1xf32>,
      %slice3A_409 = vector.extract_strided_slice %cond3A_384#1 {offsets = [1, 0, 0], sizes = [1, 1, 1], strides = [1, 1, 1]} : vector<4x1x1xf32> to vector<1x1x1xf32>
      %squeeze3A_410 = vector.shape_cast %slice3A_409 : vector<1x1x1xf32> to vector<1x1xf32>
      %swap3A_411 = arith.index_cast %add3A_388 : i32 to index
      %swap3A_412 = arith.constant 5 : index
      %swap3A_413 = vector.load %arg3[%swap3A_411, %swap3A_412] : memref<1024x16xf32, #tpu.memory_space<vmem>>, vector<1x1xf32>
      tpu.vector_store %arg3[%swap3A_411, %swap3A_412], %squeeze3A_410 {strides = array<i32>} : memref<1024x16xf32, #tpu.memory_space<vmem>>, vector<1x1xf32>,
      %slice3A_414 = vector.extract_strided_slice %cond3A_384#2 {offsets = [1, 0, 0], sizes = [1, 1, 1], strides = [1, 1, 1]} : vector<4x1x1xf32> to vector<1x1x1xf32>
      %squeeze3A_415 = vector.shape_cast %slice3A_414 : vector<1x1x1xf32> to vector<1x1xf32>
      %swap3A_416 = arith.index_cast %add3A_388 : i32 to index
      %swap3A_417 = arith.constant 6 : index
      %swap3A_418 = vector.load %arg3[%swap3A_416, %swap3A_417] : memref<1024x16xf32, #tpu.memory_space<vmem>>, vector<1x1xf32>
      tpu.vector_store %arg3[%swap3A_416, %swap3A_417], %squeeze3A_415 {strides = array<i32>} : memref<1024x16xf32, #tpu.memory_space<vmem>>, vector<1x1xf32>,
      %slice3A_419 = vector.extract_strided_slice %cond3A_384#0 {offsets = [2, 0, 0], sizes = [1, 1, 1], strides = [1, 1, 1]} : vector<4x1x1xf32> to vector<1x1x1xf32>
      %squeeze3A_420 = vector.shape_cast %slice3A_419 : vector<1x1x1xf32> to vector<1x1xf32>
      %swap3A_421 = arith.index_cast %add3A_388 : i32 to index
      %swap3A_422 = arith.constant 8 : index
      %swap3A_423 = vector.load %arg3[%swap3A_421, %swap3A_422] : memref<1024x16xf32, #tpu.memory_space<vmem>>, vector<1x1xf32>
      tpu.vector_store %arg3[%swap3A_421, %swap3A_422], %squeeze3A_420 {strides = array<i32>} : memref<1024x16xf32, #tpu.memory_space<vmem>>, vector<1x1xf32>,
      %slice3A_424 = vector.extract_strided_slice %cond3A_384#1 {offsets = [2, 0, 0], sizes = [1, 1, 1], strides = [1, 1, 1]} : vector<4x1x1xf32> to vector<1x1x1xf32>
      %squeeze3A_425 = vector.shape_cast %slice3A_424 : vector<1x1x1xf32> to vector<1x1xf32>
      %swap3A_426 = arith.index_cast %add3A_388 : i32 to index
      %swap3A_427 = arith.constant 9 : index
      %swap3A_428 = vector.load %arg3[%swap3A_426, %swap3A_427] : memref<1024x16xf32, #tpu.memory_space<vmem>>, vector<1x1xf32>
      tpu.vector_store %arg3[%swap3A_426, %swap3A_427], %squeeze3A_425 {strides = array<i32>} : memref<1024x16xf32, #tpu.memory_space<vmem>>, vector<1x1xf32>,
      %slice3A_429 = vector.extract_strided_slice %cond3A_384#2 {offsets = [2, 0, 0], sizes = [1, 1, 1], strides = [1, 1, 1]} : vector<4x1x1xf32> to vector<1x1x1xf32>
      %squeeze3A_430 = vector.shape_cast %slice3A_429 : vector<1x1x1xf32> to vector<1x1xf32>
      %swap3A_431 = arith.index_cast %add3A_388 : i32 to index
      %swap3A_432 = arith.constant 10 : index
      %swap3A_433 = vector.load %arg3[%swap3A_431, %swap3A_432] : memref<1024x16xf32, #tpu.memory_space<vmem>>, vector<1x1xf32>
      tpu.vector_store %arg3[%swap3A_431, %swap3A_432], %squeeze3A_430 {strides = array<i32>} : memref<1024x16xf32, #tpu.memory_space<vmem>>, vector<1x1xf32>,
      %slice3A_434 = vector.extract_strided_slice %cond3A_384#0 {offsets = [3, 0, 0], sizes = [1, 1, 1], strides = [1, 1, 1]} : vector<4x1x1xf32> to vector<1x1x1xf32>
      %squeeze3A_435 = vector.shape_cast %slice3A_434 : vector<1x1x1xf32> to vector<1x1xf32>
      %swap3A_436 = arith.index_cast %add3A_388 : i32 to index
      %swap3A_437 = arith.constant 12 : index
      %swap3A_438 = vector.load %arg3[%swap3A_436, %swap3A_437] : memref<1024x16xf32, #tpu.memory_space<vmem>>, vector<1x1xf32>
      tpu.vector_store %arg3[%swap3A_436, %swap3A_437], %squeeze3A_435 {strides = array<i32>} : memref<1024x16xf32, #tpu.memory_space<vmem>>, vector<1x1xf32>,
      %slice3A_439 = vector.extract_strided_slice %cond3A_384#1 {offsets = [3, 0, 0], sizes = [1, 1, 1], strides = [1, 1, 1]} : vector<4x1x1xf32> to vector<1x1x1xf32>
      %squeeze3A_440 = vector.shape_cast %slice3A_439 : vector<1x1x1xf32> to vector<1x1xf32>
      %swap3A_441 = arith.index_cast %add3A_388 : i32 to index
      %swap3A_442 = arith.constant 13 : index
      %swap3A_443 = vector.load %arg3[%swap3A_441, %swap3A_442] : memref<1024x16xf32, #tpu.memory_space<vmem>>, vector<1x1xf32>
      tpu.vector_store %arg3[%swap3A_441, %swap3A_442], %squeeze3A_440 {strides = array<i32>} : memref<1024x16xf32, #tpu.memory_space<vmem>>, vector<1x1xf32>,
      %slice3A_444 = vector.extract_strided_slice %cond3A_384#2 {offsets = [3, 0, 0], sizes = [1, 1, 1], strides = [1, 1, 1]} : vector<4x1x1xf32> to vector<1x1x1xf32>
      %squeeze3A_445 = vector.shape_cast %slice3A_444 : vector<1x1x1xf32> to vector<1x1xf32>
      %swap3A_446 = arith.index_cast %add3A_388 : i32 to index
      %swap3A_447 = arith.constant 14 : index
      %swap3A_448 = vector.load %arg3[%swap3A_446, %swap3A_447] : memref<1024x16xf32, #tpu.memory_space<vmem>>, vector<1x1xf32>
      tpu.vector_store %arg3[%swap3A_446, %swap3A_447], %squeeze3A_445 {strides = array<i32>} : memref<1024x16xf32, #tpu.memory_space<vmem>>, vector<1x1xf32>,
      %sub3A_449 = vector.broadcast %cond3A_384#0 : vector<4x1x1xf32> to vector<4x64x128xf32>
      %sub3A_450 = arith.subf %get3A_30, %sub3A_449 : vector<4x64x128xf32>
      %sub3A_451 = vector.broadcast %cond3A_384#1 : vector<4x1x1xf32> to vector<4x64x128xf32>
      %sub3A_452 = arith.subf %get3A_34, %sub3A_451 : vector<4x64x128xf32>
      %sub3A_453 = vector.broadcast %cond3A_384#2 : vector<4x1x1xf32> to vector<4x64x128xf32>
      %sub3A_454 = arith.subf %get3A_38, %sub3A_453 : vector<4x64x128xf32>
      %mul3A_455 = arith.mulf %sub3A_450, %sub3A_450 : vector<4x64x128xf32>
      %mul3A_456 = arith.mulf %sub3A_454, %sub3A_454 : vector<4x64x128xf32>
      %add3A_457 = arith.addf %mul3A_455, %mul3A_456 : vector<4x64x128xf32>
      %mul3A_458 = arith.mulf %sub3A_452, %sub3A_452 : vector<4x64x128xf32>
      %add3A_459 = arith.addf %add3A_457, %mul3A_458 : vector<4x64x128xf32>
      %min3A_460 = arith.minimumf %min3A_342, %add3A_459 : vector<4x64x128xf32>
      %reduce_max3A_461 = arith.constant dense<0xFF800000> : vector<4xf32>
      %reduce_max3A_462 = vector.multi_reduction <maximumf>, %min3A_460, %reduce_max3A_461 [1, 2] : vector<4x64x128xf32> to vector<4xf32>
      %broadcast_in_dim3A_463 = vector.shape_cast %reduce_max3A_462 : vector<4xf32> to vector<4x1x1xf32>
      %eq3A_464 = vector.broadcast %broadcast_in_dim3A_463 : vector<4x1x1xf32> to vector<4x64x128xf32>
      %eq3A_465 = arith.cmpf oeq, %min3A_460, %eq3A_464 : vector<4x64x128xf32>
      %jit3A_466 = arith.constant 0.000000e+00 : f32
      %broadcast_in_dim3A_467 = vector.broadcast %jit3A_466 : f32 to vector<4x64x128xf32>
      %select_n3A_468 = arith.select %eq3A_465, %get3A_30, %broadcast_in_dim3A_467 : vector<4x64x128xi1>, vector<4x64x128xf32>
      %reduce_sum3A_469 = arith.constant dense<0.000000e+00> : vector<4xf32>
      %reduce_sum3A_470 = vector.multi_reduction <add>, %select_n3A_468, %reduce_sum3A_469 [1, 2] : vector<4x64x128xf32> to vector<4xf32>
      %broadcast_in_dim3A_471 = vector.shape_cast %reduce_sum3A_470 : vector<4xf32> to vector<4x1x1xf32>
      %jit3A_472 = arith.constant 0.000000e+00 : f32
      %broadcast_in_dim3A_473 = vector.broadcast %jit3A_472 : f32 to vector<4x64x128xf32>
      %select_n3A_474 = arith.select %eq3A_465, %get3A_34, %broadcast_in_dim3A_473 : vector<4x64x128xi1>, vector<4x64x128xf32>
      %reduce_sum3A_475 = arith.constant dense<0.000000e+00> : vector<4xf32>
      %reduce_sum3A_476 = vector.multi_reduction <add>, %select_n3A_474, %reduce_sum3A_475 [1, 2] : vector<4x64x128xf32> to vector<4xf32>
      %broadcast_in_dim3A_477 = vector.shape_cast %reduce_sum3A_476 : vector<4xf32> to vector<4x1x1xf32>
      %jit3A_478 = arith.constant 0.000000e+00 : f32
      %broadcast_in_dim3A_479 = vector.broadcast %jit3A_478 : f32 to vector<4x64x128xf32>
      %select_n3A_480 = arith.select %eq3A_465, %get3A_38, %broadcast_in_dim3A_479 : vector<4x64x128xi1>, vector<4x64x128xf32>
      %reduce_sum3A_481 = arith.constant dense<0.000000e+00> : vector<4xf32>
      %reduce_sum3A_482 = vector.multi_reduction <add>, %select_n3A_480, %reduce_sum3A_481 [1, 2] : vector<4x64x128xf32> to vector<4xf32>
      %broadcast_in_dim3A_483 = vector.shape_cast %reduce_sum3A_482 : vector<4xf32> to vector<4x1x1xf32>
      %jit3A_484 = arith.constant 1 : i32
      %jit3A_485 = arith.constant 0 : i32
      %broadcast_in_dim3A_486 = vector.broadcast %jit3A_484 : i32 to vector<4x64x128xi32>
      %broadcast_in_dim3A_487 = vector.broadcast %jit3A_485 : i32 to vector<4x64x128xi32>
      %select_n3A_488 = arith.select %eq3A_465, %broadcast_in_dim3A_486, %broadcast_in_dim3A_487 : vector<4x64x128xi1>, vector<4x64x128xi32>
      %reduce_sum3A_489 = arith.constant dense<0> : vector<4xi32>
      %reduce_sum3A_490 = vector.multi_reduction <add>, %select_n3A_488, %reduce_sum3A_489 [1, 2] : vector<4x64x128xi32> to vector<4xi32>
      %broadcast_in_dim3A_491 = vector.shape_cast %reduce_sum3A_490 : vector<4xi32> to vector<4x1x1xi32>
      %reduce_max3A_492 = vector.shape_cast %broadcast_in_dim3A_491 : vector<4x1x1xi32> to vector<1x4x1x1xi32>
      %reduce_max3A_493 = arith.constant dense<-2147483648> : vector<1xi32>
      %reduce_max3A_494 = vector.multi_reduction <maxsi>, %reduce_max3A_492, %reduce_max3A_493 [1, 2, 3] : vector<1x4x1x1xi32> to vector<1xi32>
      %reduce_max3A_495 = vector.shape_cast %reduce_max3A_494 : vector<1xi32> to vector<1x1x1x1xi32>
      %reduce_max3A_496 = vector.extract %reduce_max3A_495[0, 0, 0, 0] : i32 from vector<1x1x1x1xi32>
      %gt3A_497 = arith.constant 1 : i32
      %gt3A_498 = arith.cmpi sgt, %reduce_max3A_496, %gt3A_497 : i32
      %convert_element_type3A_499 = arith.extui %gt3A_498 : i1 to i32
      %cond3A_500 = arith.constant 0 : i32
      %cond3A_501 = arith.cmpi ne, %convert_element_type3A_499, %cond3A_500 : i32
      %cond3A_502:3 = scf.if %cond3A_501 -> (vector<4x1x1xf32>, vector<4x1x1xf32>, vector<4x1x1xf32>) {
        %jit3A_507 = arith.constant 8192 : i32
        %broadcast_in_dim3A_508 = vector.broadcast %jit3A_507 : i32 to vector<4x64x128xi32>
        %select_n3A_509 = arith.select %eq3A_465, %add3A, %broadcast_in_dim3A_508 : vector<4x64x128xi1>, vector<4x64x128xi32>
        %reduce_min3A = arith.constant dense<2147483647> : vector<4xi32>
        %reduce_min3A_510 = vector.multi_reduction <minsi>, %select_n3A_509, %reduce_min3A [1, 2] : vector<4x64x128xi32> to vector<4xi32>
        %broadcast_in_dim3A_511 = vector.shape_cast %reduce_min3A_510 : vector<4xi32> to vector<4x1x1xi32>
        %eq3A_512 = vector.broadcast %broadcast_in_dim3A_511 : vector<4x1x1xi32> to vector<4x64x128xi32>
        %eq3A_513 = arith.cmpi eq, %add3A, %eq3A_512 : vector<4x64x128xi32>
        %jit3A_514 = arith.constant 0.000000e+00 : f32
        %broadcast_in_dim3A_515 = vector.broadcast %jit3A_514 : f32 to vector<4x64x128xf32>
        %select_n3A_516 = arith.select %eq3A_513, %get3A_30, %broadcast_in_dim3A_515 : vector<4x64x128xi1>, vector<4x64x128xf32>
        %reduce_sum3A_517 = arith.constant dense<0.000000e+00> : vector<4xf32>
        %reduce_sum3A_518 = vector.multi_reduction <add>, %select_n3A_516, %reduce_sum3A_517 [1, 2] : vector<4x64x128xf32> to vector<4xf32>
        %broadcast_in_dim3A_519 = vector.shape_cast %reduce_sum3A_518 : vector<4xf32> to vector<4x1x1xf32>
        %jit3A_520 = arith.constant 0.000000e+00 : f32
        %broadcast_in_dim3A_521 = vector.broadcast %jit3A_520 : f32 to vector<4x64x128xf32>
        %select_n3A_522 = arith.select %eq3A_513, %get3A_34, %broadcast_in_dim3A_521 : vector<4x64x128xi1>, vector<4x64x128xf32>
        %reduce_sum3A_523 = arith.constant dense<0.000000e+00> : vector<4xf32>
        %reduce_sum3A_524 = vector.multi_reduction <add>, %select_n3A_522, %reduce_sum3A_523 [1, 2] : vector<4x64x128xf32> to vector<4xf32>
        %broadcast_in_dim3A_525 = vector.shape_cast %reduce_sum3A_524 : vector<4xf32> to vector<4x1x1xf32>
        %jit3A_526 = arith.constant 0.000000e+00 : f32
        %broadcast_in_dim3A_527 = vector.broadcast %jit3A_526 : f32 to vector<4x64x128xf32>
        %select_n3A_528 = arith.select %eq3A_513, %get3A_38, %broadcast_in_dim3A_527 : vector<4x64x128xi1>, vector<4x64x128xf32>
        %reduce_sum3A_529 = arith.constant dense<0.000000e+00> : vector<4xf32>
        %reduce_sum3A_530 = vector.multi_reduction <add>, %select_n3A_528, %reduce_sum3A_529 [1, 2] : vector<4x64x128xf32> to vector<4xf32>
        %broadcast_in_dim3A_531 = vector.shape_cast %reduce_sum3A_530 : vector<4xf32> to vector<4x1x1xf32>
        scf.yield %broadcast_in_dim3A_519, %broadcast_in_dim3A_525, %broadcast_in_dim3A_531 : vector<4x1x1xf32>, vector<4x1x1xf32>, vector<4x1x1xf32>
      } else {
        scf.yield %broadcast_in_dim3A_471, %broadcast_in_dim3A_477, %broadcast_in_dim3A_483 : vector<4x1x1xf32>, vector<4x1x1xf32>, vector<4x1x1xf32>
      }
      %swap3A_503 = arith.constant 0 : index
      %swap3A_504 = arith.constant 0 : index
      %swap3A_505 = arith.constant 0 : index
      %swap3A_506 = vector.load %arg4[%swap3A_503, %swap3A_504, %swap3A_505] : memref<4x64x128xf32, #tpu.memory_space<vmem>>, vector<4x64x128xf32>
      tpu.vector_store %arg4[%swap3A_503, %swap3A_504, %swap3A_505], %min3A_460 {strides = array<i32>} : memref<4x64x128xf32, #tpu.memory_space<vmem>>, vector<4x64x128xf32>,
      scf.yield %cond3A_502#0, %cond3A_502#1, %cond3A_502#2 : vector<4x1x1xf32>, vector<4x1x1xf32>, vector<4x1x1xf32>
    }
    %scan3A_22 = arith.constant 256 : i32
    return
  }
}

</mosaic_0001>

<sc_bundles>
// kernel: kernel.4.cloned.1.call-start
scs
__scs_entry_jumppad:
0x0: {  	(pc) =	sbr.rel $0x88, $3  }
0x1: {  	(tag) =	ssettag $0x0;
	lr =	simm.s32 $0x1  }
0x2: {  	[smem:$0x3FA0] =	sst lr;
	_ =	strace $0xD0000000  }
0x3: {  	_ = 	snop  }
0x4: {  	_ = 	snop  }
0x5: {  	_ = 	snop  }
0x6: {  	_ = 	snop  }
0x7: {  	_ = 	snop  }
__scs_overlays_trampoline_lowered:
0x8: {  	[smem:$0x3FAF] =	sst s0  }
0x9: {  	[smem:$0x3FB0] =	sst s1  }
0xa: {  	[smem:$0x3FB1] =	sst s2  }
0xb: {  	[smem:$0x3FB2] =	sst s3  }
0xc: {  	[smem:$0x3FB3] =	sst s4  }
0xd: {  	[smem:$0x3FB4] =	sst s5  }
0xe: {  	[smem:$0x3FB5] =	sst s6  }
0xf: {  	[smem:$0x3FB6] =	sst s7  }
0x10: {  	[smem:$0x3FB7] =	sst s8  }
0x11: {  	[smem:$0x3FB8] =	sst s9;
	s0 =	simm.s32 @!p0 $0x0  }
0x12: {  	s1 =	sld [smem:$0x3F9E];
	s0 =	simm.s32 @p0 $0x1  }
0x13: {  	[smem:$0x3FB9] =	sst s0;
	s0 =	simm.s32 @!p1 $0x0  }
0x14: {  	s2 =	sld [smem:$0x3F9D];
	s0 =	simm.s32 @p1 $0x1  }
0x15: {  	[smem:$0x3FBA] =	sst s0;
	s0 =	simm.s32 @!p2 $0x0  }
0x16: {  	s3 =	sld [smem:$0x3FDB];
	s0 =	simm.s32 @p2 $0x1  }
0x17: {  	s4 =	simm.s32 $0x1BF5;
	[smem:$0x3FBC] =	sst s0  }
0x18: {  	s0 =	sld [smem:$0x3F9F];
	_ =	swait.ge [sflag:s4], $0x0  }
0x19: {  	s7 =	sld [smem:$0x3FA0]  }
0x1a: {  	s8 =	sadd.s32 $0xFFFFE003, lr  }
0x1b: {  	s9 =	sadd.s32 $0xFFFFFEF7, lr;
	s5 =	simm.s32 $0xFFFFFFFF;
	p2 =	slt.u32 s8, $0xFFFFF086  }
0x1c: {  	p1 =	slt.u32 s9, $0xF7A;
	s5 =	simm.s32 @!p2 $0x0  }
0x1d: {  	s5 =	simm.s32 @p1 $0x1;
	p0 =	seq.s32 s7, s2  }
0x1e: {  	s7 =	smul.u32 @!p0 $0xF7A, s2;
	p2 =	seq.s32 @!p0 s5, $0x0  }
0x1f: {  	s9 =	smul.u32 $0xF7A, s1;
	s8 =	simm.s32 @!p0 $0x1BF5;
	p2 =	por !p2, p0  }
0x20: {  	[sflag:s8] =	ssyncset.s32 @!p0 $0xFFFFF086;
	s6 =	sadd.s32 @!p0 s3, s7;
	s7 =	simm.s32 @!p0 $0x108  }
0x21: {  	s3 =	sadd.s32 s3, s9;
	s6 =	sadd.s32 @!p0 $0x88, s6;
	s7 =	simm.s32 @p2 $0x1082  }
0x22: {  	[simem:s7], [sflag:s8] =	dma.local @!p0 [hbm:s6], $0xF7A  }
0x23: {  	s9 =	sor.u32 $0xD0000000, s2;
	s6 =	simm.s32 $0x108;
	_ =	swait.ge @!p0 [sflag:s8], $0x0  }
0x24: {  	s3 =	sadd.s32 $0x88, s3;
	s6 =	simm.s32 @!p1 $0x1082;
	[sflag:s4] =	ssyncset.s32 $0xFFFFF086  }
0x25: {  	[simem:s6], [sflag:s4] =	dma.local [hbm:s3], $0xF7A  }
0x26: {  	[smem:$0x3FA0] =	sst s1;
	(tag) =	ssettag s2;
	_ =	strace s9  }
0x27: {  	s1 =	sld [smem:$0x3FB0]  }
0x28: {  	s2 =	sld [smem:$0x3FB1]  }
0x29: {  	s4 =	sld [smem:$0x3FB3]  }
0x2a: {  	p0 =	seq.s32 s5, $0x0;
	s5 =	sld [smem:$0x3FB4]  }
0x2b: {  	s6 =	sld [smem:$0x3FB5]  }
0x2c: {  	s7 =	sld [smem:$0x3FB6]  }
0x2d: {  	s3 =	simm.s32 $0x108;
	s8 =	sld [smem:$0x3FB7]  }
0x2e: {  	s3 =	simm.s32 @!p0 $0x1082;
	s9 =	sld [smem:$0x3FB8]  }
0x2f: {  	lr =	sadd.s32 s0, s3;
	s0 =	sld [smem:$0x3FAF]  }
0x30: {  	s3 =	sld [smem:$0x3FB2]  }
0x31: {  	[smem:$0x3FBB] =	sst s10  }
0x32: {  	s10 =	sld [smem:$0x3FB9];
	_ =	sdelay $0x3  }
0x33: {  	p0 =	seq.s32 s10, $0x1;
	s10 =	sld [smem:$0x3FBB];
	_ =	sdelay $0x3  }
0x34: {  	[smem:$0x3FBB] =	sst s10  }
0x35: {  	s10 =	sld [smem:$0x3FBA];
	_ =	sdelay $0x3  }
0x36: {  	p1 =	seq.s32 s10, $0x1;
	s10 =	sld [smem:$0x3FBB];
	_ =	sdelay $0x3  }
0x37: {  	[smem:$0x3FBB] =	sst s10  }
0x38: {  	s10 =	sld [smem:$0x3FBC]  }
0x39: {  	_ = 	snop;
	(pc) =	sbr.ind lr, $3  }
0x3a: {  	_ = 	snop  }
0x3b: {  	_ = 	snop  }
0x3c: {  	p2 =	seq.s32 s10, $0x1;
	s10 =	sld [smem:$0x3FBB]  }
0x3d: {  	_ =	shalt  }
0x3e: {  	_ =	shalt  }
0x3f: {  	_ =	shalt  }
0x40: {  	_ =	shalt  }
0x41: {  	_ =	shalt  }
0x42: {  	_ =	shalt  }
0x43: {  	_ =	shalt  }
0x44: {  	_ =	shalt  }
0x45: {  	_ =	shalt  }
0x46: {  	_ =	shalt  }
0x47: {  	_ =	shalt  }
0x48: {  	_ =	shalt  }
0x49: {  	_ =	shalt  }
0x4a: {  	_ =	shalt  }
0x4b: {  	_ =	shalt  }
0x4c: {  	_ =	shalt  }
0x4d: {  	_ =	shalt  }
0x4e: {  	_ =	shalt  }
0x4f: {  	_ =	shalt  }
0x50: {  	_ =	shalt  }
0x51: {  	_ =	shalt  }
0x52: {  	_ =	shalt  }
0x53: {  	_ =	shalt  }
0x54: {  	_ =	shalt  }
0x55: {  	_ =	shalt  }
0x56: {  	_ =	shalt  }
0x57: {  	_ =	shalt  }
0x58: {  	_ =	shalt  }
0x59: {  	_ =	shalt  }
0x5a: {  	_ =	shalt  }
0x5b: {  	_ =	shalt  }
0x5c: {  	_ =	shalt  }
0x5d: {  	_ =	shalt  }
0x5e: {  	_ =	shalt  }
0x5f: {  	_ =	shalt  }
0x60: {  	_ =	shalt  }
0x61: {  	_ =	shalt  }
0x62: {  	_ =	shalt  }
0x63: {  	_ =	shalt  }
0x64: {  	_ =	shalt  }
0x65: {  	_ =	shalt  }
0x66: {  	_ =	shalt  }
0x67: {  	_ =	shalt  }
0x68: {  	_ =	shalt  }
0x69: {  	_ =	shalt  }
0x6a: {  	_ =	shalt  }
0x6b: {  	_ =	shalt  }
0x6c: {  	_ =	shalt  }
0x6d: {  	_ =	shalt  }
0x6e: {  	_ =	shalt  }
0x6f: {  	_ =	shalt  }
0x70: {  	_ =	shalt  }
0x71: {  	_ =	shalt  }
0x72: {  	_ =	shalt  }
0x73: {  	_ =	shalt  }
0x74: {  	_ =	shalt  }
0x75: {  	_ =	shalt  }
0x76: {  	_ =	shalt  }
0x77: {  	_ =	shalt  }
0x78: {  	_ =	shalt  }
0x79: {  	_ =	shalt  }
0x7a: {  	_ =	shalt  }
0x7b: {  	_ =	shalt  }
0x7c: {  	_ =	shalt  }
0x7d: {  	_ =	shalt  }
0x7e: {  	_ =	shalt  }
0x7f: {  	_ =	shalt  }
0x80: {  	_ =	shalt  }
0x81: {  	_ =	shalt  }
0x82: {  	_ =	shalt  }
0x83: {  	_ =	shalt  }
0x84: {  	_ =	shalt  }
0x85: {  	_ =	shalt  }
0x86: {  	_ =	shalt  }
0x87: {  	_ =	shalt  }
.Lfunc_end0:
.L_simem_size_0:
called_computation_lowered:
.L_overlay_start_0:
0x88: {  	s2 =	sld [smem:$0x3FD9]  }
0x89: {  	s3 =	sld [smem:$0x3FFE];
	_ =	sdelay $0x1  }
0x8a: {  	s1 =	srdreg.scid  }
0x8b: {  	s0 =	sand.u32 $0x1, s1  }
0x8c: {  	s14 =	sshll.u32 s0, $0xA;
	s2 =	sadd.s32 s3, s2  }
0x8d: {  	s2 =	sadd.s32 s2, s14  }
0x8e: {  	[smem:$0x3FC7] =	sst s2  }
0x8f: {  	_ = 	snop  }
0x90: {  	s2 =	sld [smem:$0x3FD0];
	_ =	sdelay $0x2  }
0x91: {  	s15 =	simm.s32 $0xA;
	s4 =	simm.s32 $0x10  }
0x92: {  	[smem:s4], [sflag:s15] =	dma.local [hbm:s2], $0x1  }
0x93: {  	_ =	swait.eq [sflag:s15], $0x1  }
0x94: {  	[sflag:s15] =	ssyncset.done $0x0  }
0x95: {  	[sflag:s15] =	ssyncadd.s32 $0xFFFFFFFF  }
0x96: {  	s16 =	sld [smem:$0x10];
	(tm) =	ssettm $0x1  }
0x97: {  	s17 =	sld [smem:$0x3FFB];
	_ =	sdelay $0x3  }
0x98: {  	_ =	strace s17  }
0x99: {  	s3 =	sld [smem:$0x3FFC];
	_ =	sdelay $0x3  }
0x9a: {  	_ =	strace s3  }
0x9b: {  	s3 =	sld [smem:$0x3FFD];
	_ =	sdelay $0x3  }
0x9c: {  	_ =	strace s3  }
0x9d: {  	_ =	strace $0x8FFFFFFF  }
0x9e: {  	s18 =	sld [smem:$0x3FDB];
	_ =	sdelay $0x1  }
0x9f: {  	s19 =	simm.s32 $_scs_section_size  }
0xa0: {  	s5 =	simm.s32 $_size__tile_overlayer_lowered;
	s6 =	simm.s32 $_tile_overlayer_lowered  }
0xa1: {  	s22 =	simm.s32 $0x1BFF;
	s21 =	sshll.u32 s6, $0x1;
	s3 =	sadd.s32 s19, s18  }
0xa2: {  	s7 =	simm.s32 $0x0;
	s20 =	sshll.u32 s5, $0x1;
	s5 =	sadd.s32 s21, s3  }
0xa3: {  	[timem:s7], [sflag:s22] =	dma.local [hbm:s5], s20  }
0xa4: {  	_ =	swait.ge [sflag:s22], s20  }
0xa5: {  	s4 =	ssub.s32 $0x0, s20;
	[sflag:s22] =	ssyncset.done $0x0  }
0xa6: {  	[sflag:s22] =	ssyncadd.s32 s4;
	_ =	sdelay $0x1  }
0xa7: {  	s23 =	simm.s32 $0x1B8B  }
0xa8: {  	_ =	swait.ge [sflag:s23], $0x1  }
0xa9: {  	[sflag:s23] =	ssyncset.done $0x0  }
0xaa: {  	s25 =	simm.s32 $0x1B8E;
	s24 =	sld [smem:$0x3FFE];
	[sflag:s23] =	ssyncadd.s32 $0xFFFFFFFF  }
0xab: {  	s26 =	simm.s32 $execute0_lowered;
	[smem:$0x3FD2] =	sst s25  }
0xac: {  	s5 =	sshll.u32 s26, $0x1;
	_ =	strace $0x80000046;
	[dreg:$0x1] =	wrdreg $0xFFFFFFFF  }
0xad: {  	s28 =	simm.s32 $_size_execute0_lowered;
	s3 =	sadd.s32 s3, s5;
	[dreg:$0x0] =	wrdreg $0x0  }
0xae: {  	s5 =	sshll.u32 s28, $0x1;
	[dreg:$0x2] =	wrdreg s3  }
0xaf: {  	[dreg:$0x3] =	wrdreg s5  }
0xb0: {  	[dreg:$0x4] =	wrdreg $0xC0  }
0xb1: {  	_ =	task [dreg:s7], $0x5FFFF  }
0xb2: {  	[dreg:$0x1] =	wrdreg $0xFFFFFFFF  }
0xb3: {  	[dreg:$0x0] =	wrdreg $0x60  }
0xb4: {  	[dreg:$0x2] =	wrdreg s16  }
0xb5: {  	[dreg:$0x3] =	wrdreg s24  }
0xb6: {  	[dreg:$0x4] =	wrdreg $0x9  }
0xb7: {  	_ =	task.clear_ibuf [dreg:s7], $0x5FFFF;
	_ =	strace $0x90000046  }
0xb8: {  	s29 =	simm.s32 $0x9;
	_ =	strace $0x80000048  }
0xb9: {  	_ =	swait.ge [sflag:s29], $0x1  }
0xba: {  	[sflag:s29] =	ssyncadd.s32 $0xFFFFFFFF  }
0xbb: {  	_ =	strace $0x90000048  }
0xbc: {  	_ =	sfence  }
0xbd: {  	s30 =	sld [smem:$0x0];
	_ =	sdelay $0x2  }
0xbe: {  	s31 =	sshll.u32 s1, $0xD;
	s1 =	sshrl.u32 s1, $0x2  }
0xbf: {  	s3 =	sand.u32 $0x4000, s31;
	s1 =	sadd.s32 s1, s30  }
0xc0: {  	s0 =	sor.u32 s3, s0;
	s1 =	sshll.u32 s1, $0x11  }
0xc1: {  	s0 =	sor.u32 s1, s0  }
0xc2: {  	s0 =	sadd.s32 $0x8F2B, s0  }
0xc3: {  	[sflag:s0] =	ssyncadd.remote.s32 $0x1  }
0xc4: {  	_ =	sfence.sel $0xFFFF  }
0xc5: {  	[dreg:$0x0] =	wrdreg $0xFFFFFFFF;
	(pc) =	sbr.abs _section_cstart, $3  }
0xc6: {  	[dreg:$0x1] =	wrdreg $0xFFFFFFFF  }
0xc7: {  	_ =	task.clear_ibuf [dreg:s7], $0x2FFFF;
	_ =	strace $0x9FFFFFFF  }
0xc8: {  	(tm) =	ssettm $0x7FFFFFFF  }
0xc9: {  	_ =	shalt  }
tec
execute0_lowered:
.L_overlay_start_1:
0x0: {  	(tag) =	ssettag $0x1  }
0x1: {  	v0 =	vlaneseq.u32;
	v5 =	vimm.s32 $0x69666360;
	v6 =	vimm.s32 $0x75726F6C  }
0x2: {  	vm1 =	vcmask $0xF00;
	v7 =	vimm.s32 $0x7E7B78;
	vm2 =	vcmask $0x1F10  }
0x3: {  	vm0 =	vcmask $0x2B20;
	v10 =	vimm.s32 $0x6B686562;
	v11 =	vimm.s32 $0x7774716E  }
0x4: {  	s2 =	stileid.u32;
	vm11 =	vcmask $0x2720;
	vm12 =	vcmask $0x2F2C;
	vm13 =	vcmask $0x3330  }
0x5: {  	s0 =	srdreg.scid;
	vm3 =	vcmask $0x2B28;
	vm14 =	vcmask $0x3734;
	s1 =	sshll.u32 s2, $0x1;
	v5 =	vunpack.c.0.s8.s32 v5  }
0x6: {  	vm15 =	vcmask $0x3B38;
	s2 =	sshrl.u32 s2, $0x2;
	s4 =	sand.u32 $0x1, s0;
	v8 =	vmul.u32 $0x8, v0;
	v6 =	vunpack.c.0.s8.s32 v6;
	s25 =	sand.u32 $0x6, s1  }
0x7: {  	v7 =	vunpack.c.0.s8.s32 v7;
	v10 =	vunpack.c.0.s8.s32 v10;
	s26 =	sshll.u32 s2, $0xA;
	s1 =	sor.u32 s4, s25;
	v5 =	vnsel vm1, $0x40D, v5  }
0x8: {  	v11 =	vunpack.c.0.s8.s32 v11;
	v9 =	vor.u32 $0x200, v8;
	s0 =	sor.u32 s26, s1;
	v6 =	vsel vm2, v6, v5  }
0x9: {  	v5 =	vor.u32 s0, v9;
	v9 =	vsel vm0, v7, v6;
	v6 =	vimm.s32 $0x6A676461  }
0xa: {  	v2 =	vor.u32 $0x80, v8;
	v7 =	vimm.s32 $0x7673706D;
	v6 =	vunpack.c.0.s8.s32 v6  }
0xb: {  	s5 =	rddreg [dreg:$0x0];
	v3 =	vor.u32 $0x100, v8;
	v4 =	vor.u32 $0x180, v8;
	v7 =	vunpack.c.0.s8.s32 v7  }
0xc: {  	s6 =	rddreg [dreg:$0x1];
	s3 =	simm.s32 $0x0;
	s12 =	simm.s32 $0x80;
	v12 =	vor.u32 $0x280, v8;
	v1 =	vor.u32 s0, v8;
	v6 =	vnsel vm1, $0x40E, v6  }
0xd: {  	s13 =	simm.s32 $0x200;
	s14 =	simm.s32 $0x2;
	s15 =	simm.s32 $0x2000;
	v2 =	vor.u32 s0, v2;
	v13 =	vsel vm2, v7, v6;
	v6 =	vnsel vm1, $0x40F, v10  }
0xe: {  	s16 =	simm.s32 $0x4000;
	s17 =	simm.s32 $0x6000;
	s18 =	simm.s32 $0x6400;
	v7 =	vimm.s32 $0x7D7A;
	v10 =	vsel vm2, v11, v6;
	v11 =	vor.u32 $0x300, v8  }
0xf: {  	s19 =	simm.s32 $0x6800;
	s20 =	simm.s32 $0x6D80;
	s24 =	simm.s32 $0x1;
	v14 =	vunpack.c.0.s8.s32 v7;
	v7 =	vor.u32 s0, v11;
	v11 =	vimm.s32 $0x7F7C79  }
0x10: {  	[smem:$0x7FF] =	sst s3;
	s7 =	ssub.s32 $0x2, s4;
	s2 =	sshll.u32 s2, $0x4;
	v3 =	vor.u32 s0, v3;
	v9 =	vsel vm12, $0x401, v9;
	v11 =	vunpack.c.0.s8.s32 v11  }
0x11: {  	_ =	strace $0x80000047;
	s10 =	sadd.s32 s2, s6;
	s2 =	sadd.s32 s5, s2;
	v4 =	vor.u32 s0, v4;
	v9 =	vsel vm13, $0x404, v9;
	v10 =	vsel vm11, v14, v10  }
0x12: {  	s8 =	sshrl.u32 s7, $0x1;
	[dreg:$0x3] =	wrdreg s2;
	s28 =	sadd.s32 $0xA00, s10;
	v9 =	vsel vm14, $0x407, v9;
	v10 =	vsel vm3, $0x400, v10;
	v11 =	vsel vm0, v11, v13  }
0x13: {  	s4 =	sadd.s32 $0x3000, s6;
	s29 =	sadd.s32 $0x1A00, s10;
	[dreg:$0x4] =	wrdreg s28;
	v9 =	vsel vm15, $0x40A, v9;
	v10 =	vsel vm12, $0x403, v10;
	v11 =	vsel vm12, $0x402, v11  }
0x14: {  	s25 =	simm.s32 $0x0;
	s30 =	sadd.s32 $0x2E00, s10;
	[dreg:$0x5] =	wrdreg s29;
	v6 =	vor.u32 s0, v12;
	v10 =	vsel vm13, $0x406, v10;
	v11 =	vsel vm13, $0x405, v11  }
0x15: {  	s11 =	ssub.s32 s7, s8;
	s31 =	sadd.s32 $0x2C00, s10;
	[dreg:$0x6] =	wrdreg s30;
	v8 =	vor.u32 $0x380, v8;
	v63 =	vsel vm14, $0x409, v10;
	v11 =	vsel vm14, $0x408, v11  }
0x16: {  	s10 =	sadd.s32 $0x2A00, s10;
	[dreg:$0x7] =	wrdreg s31;
	s11 =	smax.u32 s11, $0x1;
	v8 =	vor.u32 s0, v8;
	v10 =	vsel vm15, $0x40B, v11;
	v11 =	vsel vm15, $0x40C, v63  }
.LBB2_1:
0x17: {  	s0 =	rddreg [dreg:$0x3]  }
0x18: {  	[tilespmem:s3], [sflag:$0x2] =	stream.strided.gather [hbm4b:s0+s12], $0x2000, s13, s12, $0x38;
	[tilespmem:$0xEE00] =	vst v63  }
0x19: {  	_ =	swait.ge [sflag:s14], $0x2000  }
0x1a: {  	[sflag:s14] =	ssyncset.done $0x0  }
0x1b: {  	s28 =	rddreg [dreg:$0x4];
	[sflag:s14] =	ssyncadd.s32 $0xFFFFE000  }
0x1c: {  	[tilespmem:s15], [sflag:$0x2] =	stream.strided.gather [hbm4b:s28+s12], $0x2000, s13, s12, $0x38;
	[tilespmem:$0xEE00] =	vst v63  }
0x1d: {  	_ =	swait.ge [sflag:s14], $0x2000  }
0x1e: {  	[sflag:s14] =	ssyncset.done $0x0  }
0x1f: {  	s29 =	rddreg [dreg:$0x5];
	[sflag:s14] =	ssyncadd.s32 $0xFFFFE000  }
0x20: {  	[tilespmem:s16], [sflag:$0x2] =	stream.strided.gather [hbm4b:s29+s12], $0x2000, s13, s12, $0x38;
	[tilespmem:$0xEE00] =	vst v63  }
0x21: {  	_ =	swait.ge [sflag:s14], $0x2000  }
0x22: {  	[sflag:s14] =	ssyncset.done $0x0  }
0x23: {  	s30 =	rddreg [dreg:$0x6];
	[sflag:s14] =	ssyncadd.s32 $0xFFFFE000  }
0x24: {  	[tilespmem:s17], [sflag:$0x2] =	stream.strided.gather [hbm4b:s30+s12], $0x400, s13, s12, $0x38;
	[tilespmem:$0xEE00] =	vst v63  }
0x25: {  	_ =	swait.ge [sflag:s14], $0x400  }
0x26: {  	[sflag:s14] =	ssyncset.done $0x0  }
0x27: {  	s31 =	rddreg [dreg:$0x7];
	[sflag:s14] =	ssyncadd.s32 $0xFFFFFC00  }
0x28: {  	[tilespmem:s18], [sflag:$0x2] =	stream.strided.gather [hbm4b:s31+s12], $0x400, s13, s12, $0x38;
	[tilespmem:$0xEE00] =	vst v63  }
0x29: {  	_ =	swait.ge [sflag:s14], $0x400  }
0x2a: {  	[sflag:s14] =	ssyncset.done $0x0  }
0x2b: {  	[sflag:s14] =	ssyncadd.s32 $0xFFFFFC00  }
0x2c: {  	[tilespmem:s19], [sflag:$0x2] =	stream.strided.gather [hbm4b:s10+s12], $0x400, s13, s12, $0x38;
	[tilespmem:$0xEE00] =	vst v63  }
0x2d: {  	_ =	swait.ge [sflag:s14], $0x400  }
0x2e: {  	[sflag:s14] =	ssyncset.done $0x0  }
0x2f: {  	[sflag:s14] =	ssyncadd.s32 $0xFFFFFC00  }
0x30: {  	[tilespmem:$0xED80] =	vst v1  }
0x31: {  	[tilespmem:$0xED90] =	vst v2  }
0x32: {  	[tilespmem:$0xEDA0] =	vst v3  }
0x33: {  	[tilespmem:$0xEDB0] =	vst v4  }
0x34: {  	[tilespmem:$0xEDC0] =	vst v5  }
0x35: {  	[tilespmem:$0xEDD0] =	vst v6  }
0x36: {  	[tilespmem:$0xEDE0] =	vst v7  }
0x37: {  	s26 =	simm.s32 $0x0;
	[tilespmem:$0xEDF0] =	vst v8  }
.LBB2_2:
0x38: {  	s0 =	sshll.u32 s26, $0x3  }
0x39: {  	s0 =	sor.u32 s1, s0  }
0x3a: {  	v14 =	vmov s0;
	_ =	sdelay $0x4  }
0x3b: {  	v12 =	vld.idx.msk [tilespmem:v14+s17+$0x0], $0xffff  }
0x3c: {  	s28 =	simm.s32 $0x0;
	s29 =	simm.s32 $0x4080;
	v13 =	vld.idx.msk [tilespmem:v14+s18+$0x0], $0xffff  }
0x3d: {  	s30 =	simm.s32 $0x2080;
	s31 =	simm.s32 $0x80;
	s2 =	simm.s32 $0x0;
	v14 =	vld.idx.msk [tilespmem:v14+s19+$0x0], $0xffff  }
.LBB2_3:
0x3e: {  	v15 =	vld [tilespmem:s31+$0xFFFFFF80]  }
0x3f: {  	v16 =	vld [tilespmem:s29+$0xFFFFFF80]  }
0x40: {  	v17 =	vld [tilespmem:s30+$0xFFFFFF80]  }
0x41: {  	v18 =	vld [tilespmem:s31+$0xFFFFFF90]  }
0x42: {  	v19 =	vld [tilespmem:s30+$0xFFFFFF90]  }
0x43: {  	v20 =	vld [tilespmem:s29+$0xFFFFFF90]  }
0x44: {  	v21 =	vld [tilespmem:s31+$0xFFFFFFA0]  }
0x45: {  	v22 =	vld [tilespmem:s29+$0xFFFFFFA0]  }
0x46: {  	v23 =	vld [tilespmem:s31+$0xFFFFFFB0]  }
0x47: {  	v24 =	vld [tilespmem:s29+$0xFFFFFFB0]  }
0x48: {  	v49 =	vld [tilespmem:s30+$0xFFFFFFA0]  }
0x49: {  	v25 =	vld [tilespmem:s31+$0xFFFFFFC0]  }
0x4a: {  	v26 =	vld [tilespmem:s29+$0xFFFFFFC0];
	v15 =	vsub.f32 v15, v12  }
0x4b: {  	v54 =	vld [tilespmem:s30+$0xFFFFFFC0];
	v16 =	vsub.f32 v16, v14;
	v17 =	vsub.f32 v17, v13  }
0x4c: {  	v27 =	vld [tilespmem:s31+$0xFFFFFFD0];
	v47 =	vsub.f32 v18, v12;
	v48 =	vsub.f32 v20, v14  }
0x4d: {  	v62 =	vld [tilespmem:s31+$0xFFFFFFE0];
	v50 =	vsub.f32 v19, v13;
	v21 =	vsub.f32 v21, v12  }
0x4e: {  	v63 =	vld [tilespmem:s29+$0xFFFFFFE0];
	v22 =	vsub.f32 v22, v14;
	v23 =	vsub.f32 v23, v12  }
0x4f: {  	v34 =	vld [tilespmem:s30+$0xFFFFFFE0];
	v24 =	vsub.f32 v24, v14;
	v20 =	vsub.f32 v49, v13  }
0x50: {  	v37 =	vld [tilespmem:s31+$0xFFFFFFF0];
	v60 =	vsub.f32 v25, v12;
	v61 =	vsub.f32 v26, v14  }
0x51: {  	v39 =	vld [tilespmem:s29+$0xFFFFFFF0];
	v33 =	vsub.f32 v27, v12;
	v35 =	vsub.f32 v54, v13  }
0x52: {  	v30 =	vld [tilespmem:s30+$0xFFFFFFF0];
	v26 =	vsub.f32 v62, v12;
	v15 =	vmul.f32 v15, v15;
	v16 =	vmul.f32 v16, v16  }
0x53: {  	v58 =	vld [tilespmem:s30+$0xFFFFFFD0];
	v19 =	vsub.f32 v63, v14;
	v46 =	vmul.f32 v17, v17;
	v17 =	vmul.f32 v47, v47  }
0x54: {  	v29 =	vld [tilespmem:s31+$0x0];
	v42 =	vsub.f32 v34, v13;
	v18 =	vmul.f32 v48, v48;
	v52 =	vmul.f32 v21, v21  }
0x55: {  	v44 =	vsub.f32 v37, v12;
	v53 =	vmul.f32 v22, v22;
	v23 =	vmul.f32 v23, v23  }
0x56: {  	v45 =	vsub.f32 v39, v14;
	v24 =	vmul.f32 v24, v24;
	v56 =	vmul.f32 v20, v20  }
0x57: {  	v40 =	vld [tilespmem:s29+$0x0];
	v30 =	vsub.f32 v30, v13;
	v31 =	vmul.f32 v60, v60;
	v32 =	vmul.f32 v61, v61  }
0x58: {  	v62 =	vld [tilespmem:s31+$0x40];
	v21 =	vsub.f32 v58, v13;
	v38 =	vmul.f32 v33, v33;
	v26 =	vmul.f32 v26, v26  }
0x59: {  	v55 =	vld [tilespmem:s29+$0xFFFFFFD0];
	v19 =	vmul.f32 v19, v19;
	v47 =	vsub.f32 v29, v12;
	v15 =	vadd.f32 v16, v15  }
0x5a: {  	v43 =	vld [tilespmem:s31+$0x10];
	v22 =	vmul.f32 v42, v42;
	v17 =	vadd.f32 v18, v17;
	v18 =	vadd.f32 v53, v52  }
0x5b: {  	v33 =	vld [tilespmem:s31+$0x50];
	v16 =	vmul.f32 v50, v50;
	v57 =	vadd.f32 v24, v23;
	v36 =	vadd.f32 v32, v31  }
0x5c: {  	v51 =	vld [tilespmem:s30+$0xFFFFFFB0];
	v21 =	vmul.f32 v21, v21;
	v19 =	vadd.f32 v19, v26;
	v24 =	vsub.f32 v40, v14  }
0x5d: {  	v23 =	vmul.f32 v45, v45;
	v40 =	vsub.f32 v62, v12;
	v15 =	vadd.f32 v15, v46  }
0x5e: {  	v31 =	vld [tilespmem:s31+$0x20];
	v27 =	vmul.f32 v47, v47;
	v16 =	vadd.f32 v17, v16;
	v18 =	vadd.f32 v18, v56  }
0x5f: {  	v32 =	vld [tilespmem:s29+$0x20];
	v50 =	vmul.f32 v30, v30;
	v17 =	vsub.f32 v55, v14;
	v19 =	vadd.f32 v19, v22  }
0x60: {  	v53 =	vld [tilespmem:s29+$0x30];
	v24 =	vmul.f32 v24, v24;
	v56 =	vsub.f32 v43, v12;
	v43 =	vsub.f32 v33, v12  }
0x61: {  	v41 =	vld [tilespmem:s30+$0x0];
	vm0 =	vle.f32 v15, $3.999999910e-02;
	v15 =	vsub.f32 v51, v13;
	vm1 =	vle.f32 v16, $3.999999910e-02  }
0x62: {  	v46 =	vld [tilespmem:s30+$0x10];
	vm2 =	vle.f32 v18, $3.999999910e-02;
	v17 =	vmul.f32 v17, v17;
	v18 =	vmul.f32 v35, v35  }
0x63: {  	v54 =	vld [tilespmem:s30+$0x20];
	v52 =	vadd.f32 v24, v27;
	vm7 =	vle.f32 v19, $3.999999910e-02;
	v16 =	vmpcnt.ones.xlane vm1  }
0x64: {  	v48 =	vld [tilespmem:s29+$0x10];
	v28 =	vmpcnt.ones.xlane vm2;
	v60 =	vsub.f32 v31, v12;
	v61 =	vsub.f32 v32, v14  }
0x65: {  	v42 =	vld [tilespmem:s31+$0x60];
	v24 =	vsub.f32 v53, v14;
	v37 =	vmpcnt.ones.xlane vm7;
	v59 =	vmul.f32 v15, v15  }
0x66: {  	v35 =	vld [tilespmem:s29+$0x50];
	v15 =	vmpcnt.ones.xlane vm0;
	v17 =	vadd.f32 v17, v38;
	v18 =	vadd.f32 v36, v18  }
0x67: {  	v63 =	vld [tilespmem:s29+$0x40];
	v58 =	vsub.f32 v46, v13;
	v26 =	vmul.f32 v60, v60;
	v29 =	vmul.f32 v61, v61  }
0x68: {  	v51 =	vld [tilespmem:s31+$0x30];
	v24 =	vmul.f32 v24, v24;
	v20 =	vadd.f32 v57, v59;
	v17 =	vadd.f32 v17, v21  }
0x69: {  	v45 =	vld [tilespmem:s30+$0x60];
	vm4 =	vle.f32 v18, $3.999999910e-02;
	v18 =	vmul.f32 v44, v44;
	v59 =	vsub.f32 v48, v14  }
0x6a: {  	v53 =	vld [tilespmem:s31+$0x70];
	v48 =	vsub.f32 v42, v12;
	(v2sf) =	vpush v15, $0x0;
	v15 =	vadd.s32 v15, v16  }
0x6b: {  	v27 =	vmpcnt.ones.xlane vm4;
	v34 =	vadd.f32 v29, v26;
	v26 =	vsub.f32 v35, v14  }
0x6c: {  	v38 =	vld [tilespmem:s30+$0x50];
	(v2sf) =	vpush v15, $0x0;
	vm3 =	vle.f32 v20, $3.999999910e-02;
	v20 =	vsub.f32 v41, v13  }
0x6d: {  	v15 =	vadd.s32 v15, v28;
	v49 =	vadd.f32 v23, v18;
	v23 =	vsub.f32 v51, v12  }
0x6e: {  	v57 =	vld [tilespmem:s30+$0x30];
	vm5 =	vle.f32 v17, $3.999999910e-02;
	v18 =	vsub.f32 v54, v13;
	v41 =	vsub.f32 v63, v14  }
0x6f: {  	v44 =	vld [tilespmem:s29+$0x60];
	v25 =	vmul.f32 v59, v59;
	v51 =	vsub.f32 v45, v13;
	v60 =	vsub.f32 v53, v12  }
0x70: {  	(v2sf) =	vpush v15, $0x0;
	v21 =	vmpcnt.ones.xlane vm3;
	v30 =	vmpcnt.ones.xlane vm5  }
0x71: {  	v36 =	vld [tilespmem:s30+$0x40];
	v19 =	vsub.f32 v38, v13;
	v26 =	vmul.f32 v26, v26;
	v20 =	vmul.f32 v20, v20  }
0x72: {  	v17 =	vadd.f32 v49, v50;
	v23 =	vmul.f32 v23, v23;
	v18 =	vmul.f32 v18, v18  }
0x73: {  	v61 =	vmul.f32 v60, v60;
	v22 =	vsub.f32 v57, v13;
	v19 =	vmul.f32 v19, v19  }
0x74: {  	v49 =	vsub.f32 v44, v14;
	v15 =	vadd.s32 v15, v21;
	v55 =	vadd.f32 v52, v20  }
0x75: {  	vm6 =	vle.f32 v17, $3.999999910e-02;
	v20 =	vmul.f32 v56, v56;
	v23 =	vadd.f32 v24, v23  }
0x76: {  	v17 =	vmul.f32 v58, v58;
	v18 =	vadd.f32 v34, v18;
	v24 =	vsub.f32 v36, v13  }
0x77: {  	(v2sf) =	vpush v15, $0x0;
	v22 =	vmul.f32 v22, v22;
	v20 =	vadd.f32 v25, v20  }
0x78: {  	v15 =	vadd.s32 v15, v27;
	v39 =	vmpcnt.ones.xlane vm6;
	v52 =	vmul.f32 v49, v49  }
0x79: {  	(v2sf) =	vpush v15, $0x0;
	v15 =	vadd.s32 v15, v30;
	v17 =	vadd.f32 v20, v17  }
0x7a: {  	vm8 =	vle.f32 v55, $3.999999910e-02;
	vm10 =	vle.f32 v18, $3.999999910e-02;
	v22 =	vadd.f32 v23, v22  }
0x7b: {  	v23 =	vmul.f32 v41, v41;
	vm9 =	vle.f32 v17, $3.999999910e-02;
	v17 =	vmul.f32 v40, v40  }
0x7c: {  	v18 =	vmul.f32 v43, v43;
	v24 =	vmul.f32 v24, v24;
	v55 =	vld [tilespmem:s29+$0x70];
	(v2sf) =	vpush v15, $0x0  }
0x7d: {  	v15 =	vadd.s32 v15, v37;
	v46 =	vmpcnt.ones.xlane vm8;
	v17 =	vadd.f32 v23, v17  }
0x7e: {  	v59 =	vld [tilespmem:s30+$0x70];
	v50 =	vmpcnt.ones.xlane vm10;
	(v2sf) =	vpush v15, $0x0;
	v18 =	vadd.f32 v26, v18  }
0x7f: {  	vm11 =	vle.f32 v22, $3.999999910e-02;
	v22 =	vmul.f32 v48, v48;
	v17 =	vadd.f32 v17, v24  }
0x80: {  	v15 =	vadd.s32 v15, v39;
	v18 =	vadd.f32 v18, v19;
	v19 =	vmul.f32 v51, v51  }
0x81: {  	v22 =	vadd.f32 v52, v22;
	vm13 =	vle.f32 v17, $3.999999910e-02;
	v17 =	vsub.f32 v55, v14  }
0x82: {  	(v2sf) =	vpush v15, $0x0;
	v15 =	vadd.s32 v15, v46;
	v47 =	vmpcnt.ones.xlane vm9  }
0x83: {  	v58 =	vadd.f32 v22, v19;
	v19 =	vsub.f32 v59, v13;
	v17 =	vmul.f32 v17, v17  }
0x84: {  	v54 =	vmpcnt.ones.xlane vm11;
	(v2sf) =	vpush v15, $0x0;
	vm12 =	vle.f32 v18, $3.999999910e-02  }
0x85: {  	v15 =	vadd.s32 v15, v47;
	v19 =	vmul.f32 v19, v19;
	v17 =	vadd.f32 v17, v61  }
0x86: {  	v57 =	vmpcnt.ones.xlane vm12;
	(v2sf) =	vpush v15, $0x0;
	v15 =	vadd.s32 v15, v50  }
0x87: {  	vm14 =	vle.f32 v58, $3.999999910e-02;
	v56 =	vmpcnt.ones.xlane vm13;
	v62 =	vadd.f32 v17, v19  }
0x88: {  	(v2sf) =	vpush v15, $0x0;
	v15 =	vadd.s32 v15, v54;
	v63 =	vmpcnt.ones.xlane vm14  }
0x89: {  	(v2sf) =	vpush v15, $0x0;
	v15 =	vadd.s32 v15, v56;
	vm15 =	vle.f32 v62, $3.999999910e-02  }
0x8a: {  	(v2sf) =	vpush v15, $0x0;
	v15 =	vadd.s32 v15, v57;
	v16 =	vmpcnt.ones.xlane vm15  }
0x8b: {  	(v2sf) =	vpush v15, $0x0;
	v15 =	vadd.s32 v15, v63  }
0x8c: {  	(v2sf) =	vpush v15, $0x0;
	v15 =	vadd.s32 v15, v16  }
0x8d: {  	s21 =	spop (v2sf);
	(v2sf) =	vpush v15, $0x0  }
0x8e: {  	s22 =	spop (v2sf)  }
0x8f: {  	s23 =	spop (v2sf)  }
0x90: {  	s0 =	sadd.s32 $0x6C00, s28;
	s7 =	sadd.s32 $0x10, s2;
	s5 =	spop (v2sf);
	v15 =	vor.u32 s2, v0  }
0x91: {  	s6 =	spop (v2sf);
	[tilespmem:s28+$0x6C00] =	vst.msk vm0, v15;
	v15 =	vor.u32 s7, v0;
	s7 =	sadd.s32 s21, s0;
	s21 =	sadd.s32 $0x20, s2  }
0x92: {  	s8 =	spop (v2sf);
	[tilespmem:s7+$0x0] =	vst.msk vm1, v15;
	v15 =	vor.u32 s21, v0;
	s7 =	sadd.s32 s22, s0;
	s21 =	sadd.s32 $0x30, s2  }
0x93: {  	s9 =	spop (v2sf);
	[tilespmem:s7+$0x0] =	vst.msk vm2, v15;
	v15 =	vor.u32 s21, v0;
	s7 =	sadd.s32 s23, s0;
	s21 =	sadd.s32 $0x40, s2  }
0x94: {  	s5 =	sadd.s32 s5, s0;
	s22 =	spop (v2sf);
	[tilespmem:s7+$0x0] =	vst.msk vm3, v15;
	v15 =	vor.u32 s21, v0;
	s7 =	sadd.s32 $0x50, s2  }
0x95: {  	s23 =	spop (v2sf);
	[tilespmem:s5+$0x0] =	vst.msk vm4, v15;
	v15 =	vor.u32 s7, v0;
	s5 =	sadd.s32 s6, s0;
	s6 =	sadd.s32 $0x60, s2  }
0x96: {  	s21 =	spop (v2sf);
	[tilespmem:s5+$0x0] =	vst.msk vm5, v15;
	v15 =	vor.u32 s6, v0;
	s5 =	sadd.s32 s8, s0;
	s6 =	sadd.s32 $0x70, s2  }
0x97: {  	s7 =	spop (v2sf);
	[tilespmem:s5+$0x0] =	vst.msk vm7, v15;
	v15 =	vor.u32 s6, v0;
	s5 =	sadd.s32 s9, s0;
	s6 =	sadd.s32 $0x80, s2  }
0x98: {  	s8 =	spop (v2sf);
	[tilespmem:s5+$0x0] =	vst.msk vm6, v15;
	v15 =	vor.u32 s6, v0;
	s5 =	sadd.s32 s22, s0;
	s6 =	sadd.s32 $0x90, s2  }
0x99: {  	s9 =	spop (v2sf);
	[tilespmem:s5+$0x0] =	vst.msk vm8, v15;
	v15 =	vor.u32 s6, v0;
	s5 =	sadd.s32 s23, s0;
	s6 =	sadd.s32 $0xA0, s2  }
0x9a: {  	s22 =	spop (v2sf);
	[tilespmem:s5+$0x0] =	vst.msk vm9, v15;
	v15 =	vor.u32 s6, v0;
	s6 =	sadd.s32 s21, s0;
	s21 =	sadd.s32 $0xB0, s2  }
0x9b: {  	s23 =	spop (v2sf);
	[tilespmem:s6+$0x0] =	vst.msk vm10, v15;
	v15 =	vor.u32 s21, v0;
	s6 =	sadd.s32 s7, s0;
	s21 =	sadd.s32 $0xC0, s2  }
0x9c: {  	[tilespmem:s6+$0x0] =	vst.msk vm11, v15;
	v15 =	vor.u32 s21, v0;
	s21 =	spop (v2sf)  }
0x9d: {  	p0 =	sgt.u32 s2, $0x1EFF;
	s28 =	sadd.s32 s28, s21  }
0x9e: {  	p1 =	slt.s32 @!p0 s28, $0x40  }
0x9f: {  	p0 =	por p0, !p1  }
.Ltmp0:
0xa0: {  	s7 =	sadd.s32 s8, s0;
	s8 =	sadd.s32 $0xD0, s2;
	(pc) =	sbr.rel @!p0 .LBB2_3-.Ltmp0, $4  }
0xa1: {  	s6 =	sadd.s32 s9, s0;
	s9 =	sadd.s32 $0xE0, s2;
	[tilespmem:s7+$0x0] =	vst.msk vm13, v15;
	v15 =	vor.u32 s8, v0  }
0xa2: {  	[tilespmem:s6+$0x0] =	vst.msk vm12, v15;
	v15 =	vor.u32 s9, v0;
	s21 =	sadd.s32 s22, s0;
	s22 =	sadd.s32 $0xF0, s2  }
0xa3: {  	s31 =	sadd.s32 $0x100, s31;
	s0 =	sadd.s32 s23, s0;
	[tilespmem:s21+$0x0] =	vst.msk vm14, v15;
	v15 =	vor.u32 s22, v0  }
0xa4: {  	s30 =	sadd.s32 $0x100, s30;
	s29 =	sadd.s32 $0x100, s29;
	s2 =	sadd.s32 $0x100, s2;
	[tilespmem:s0+$0x0] =	vst.msk vm15, v15  }
0xa5: {  	v15 =	vld [tilespmem:$0x6C00];
	_ =	sdelay $0x4  }
0xa6: {  	(v2sf) =	vpush v15, $0x0;
	_ =	sdelay $0xc  }
0xa7: {  	p0 =	slt.s32 s28, $0x40  }
0xa8: {  	p1 =	sgt.s32 s28, $0x0;
	s28 =	simm.s32 @!p0 $0x40  }
0xa9: {  	v16 =	vmov s28;
	s0 =	spop (v2sf)  }
0xaa: {  	vm0 =	vgt.s32 v16, v0;
	s0 =	simm.s32 @!p1 $0x0  }
0xab: {  	v15 =	vnsel vm0, s0, v15;
	_ =	sdelay $0x2  }
0xac: {  	v17 =	vmov s26  }
0xad: {  	v18 =	vshll.u32 v17, $0x8;
	v17 =	vshll.u32 v17, $0x7  }
0xae: {  	v20 =	vmul.u32 $0x3, v0;
	v18 =	vand.u32 $0x7800, v18;
	v17 =	vand.u32 $0x380, v17;
	v19 =	vld.idx.msk [tilespmem:v15+s3+$0x0], $0xffff  }
0xaf: {  	v17 =	vor.u32 v17, v18;
	v21 =	vld.idx.msk [tilespmem:v15+s15+$0x0], $0xffff  }
0xb0: {  	v22 =	vadd.s32 $0x1, v20;
	v18 =	vor.u32 v20, v17;
	v15 =	vld.idx.msk [tilespmem:v15+s16+$0x0], $0xffff  }
0xb1: {  	v23 =	vadd.s32 $0x2, v20;
	v22 =	vor.u32 v22, v17  }
0xb2: {  	v23 =	vor.u32 v23, v17  }
0xb3: {  	v19 =	vsub.f32 v19, v12  }
0xb4: {  	v21 =	vsub.f32 v21, v13  }
0xb5: {  	v15 =	vsub.f32 v15, v14;
	[tilespmem:v18+s20+$0x0] =	vst.idx.msk $0xffff, v19  }
0xb6: {  	[tilespmem:v22+s20+$0x0] =	vst.idx.msk $0xffff, v21  }
0xb7: {  	[tilespmem:v23+s20+$0x0] =	vst.idx.msk $0xffff, v15  }
0xb8: {  	v15 =	vld [tilespmem:$0x6C10];
	_ =	sdelay $0x2  }
0xb9: {  	v46 =	vor.u32 $0x10, v0  }
0xba: {  	vm13 =	vgt.s32 v16, v46  }
0xbb: {  	v15 =	vnsel vm13, s0, v15;
	_ =	sdelay $0x4  }
0xbc: {  	v47 =	vld.idx.msk [tilespmem:v15+s3+$0x0], $0xffff  }
0xbd: {  	v48 =	vadd.s32 $0x30, v20;
	v19 =	vld.idx.msk [tilespmem:v15+s15+$0x0], $0xffff  }
0xbe: {  	v49 =	vadd.s32 $0x31, v20;
	v21 =	vor.u32 v48, v17;
	v15 =	vld.idx.msk [tilespmem:v15+s16+$0x0], $0xffff  }
0xbf: {  	v50 =	vadd.s32 $0x32, v20;
	v22 =	vor.u32 v49, v17  }
0xc0: {  	v23 =	vor.u32 v50, v17  }
0xc1: {  	v18 =	vsub.f32 v47, v12  }
0xc2: {  	v19 =	vsub.f32 v19, v13  }
0xc3: {  	v15 =	vsub.f32 v15, v14;
	[tilespmem:v21+s20+$0x0] =	vst.idx.msk $0xffff, v18  }
0xc4: {  	[tilespmem:v22+s20+$0x0] =	vst.idx.msk $0xffff, v19  }
0xc5: {  	[tilespmem:v23+s20+$0x0] =	vst.idx.msk $0xffff, v15  }
0xc6: {  	v15 =	vld [tilespmem:$0x6C20];
	_ =	sdelay $0x2  }
0xc7: {  	v51 =	vor.u32 $0x20, v0  }
0xc8: {  	vm14 =	vgt.s32 v16, v51  }
0xc9: {  	v15 =	vnsel vm14, s0, v15;
	_ =	sdelay $0x4  }
0xca: {  	v52 =	vld.idx.msk [tilespmem:v15+s3+$0x0], $0xffff  }
0xcb: {  	v19 =	vld.idx.msk [tilespmem:v15+s15+$0x0], $0xffff  }
0xcc: {  	v53 =	vor.u32 v9, v17;
	v15 =	vld.idx.msk [tilespmem:v15+s16+$0x0], $0xffff  }
0xcd: {  	v54 =	vor.u32 v10, v17  }
0xce: {  	v55 =	vor.u32 v11, v17  }
0xcf: {  	v18 =	vsub.f32 v52, v12  }
0xd0: {  	v19 =	vsub.f32 v19, v13  }
0xd1: {  	v15 =	vsub.f32 v15, v14;
	[tilespmem:v53+s20+$0x0] =	vst.idx.msk $0xffff, v18  }
0xd2: {  	[tilespmem:v54+s20+$0x0] =	vst.idx.msk $0xffff, v19  }
0xd3: {  	[tilespmem:v55+s20+$0x0] =	vst.idx.msk $0xffff, v15  }
0xd4: {  	v15 =	vld [tilespmem:$0x6C30];
	_ =	sdelay $0x2  }
0xd5: {  	v56 =	vor.u32 $0x30, v0  }
0xd6: {  	vm15 =	vgt.s32 v16, v56  }
0xd7: {  	v15 =	vnsel vm15, s0, v15;
	_ =	sdelay $0x4  }
0xd8: {  	v57 =	vld.idx.msk [tilespmem:v15+s3+$0x0], $0xffff  }
0xd9: {  	v59 =	vadd.s32 $0x410, v20;
	v58 =	vld.idx.msk [tilespmem:v15+s15+$0x0], $0xffff  }
0xda: {  	v60 =	vadd.s32 $0x411, v20;
	v19 =	vor.u32 v59, v17;
	v15 =	vld.idx.msk [tilespmem:v15+s16+$0x0], $0xffff  }
0xdb: {  	s26 =	sadd.s32 $0x1, s26;
	v20 =	vadd.s32 $0x412, v20;
	v21 =	vor.u32 v60, v17  }
0xdc: {  	p0 =	sne.s32 s26, $0x80;
	v17 =	vor.u32 v20, v17  }
.Ltmp1:
0xdd: {  	v61 =	vsub.f32 v57, v12;
	(pc) =	sbr.rel @p0 .LBB2_2-.Ltmp1, $4  }
0xde: {  	v62 =	vsub.f32 v58, v13  }
0xdf: {  	v63 =	vsub.f32 v15, v14;
	[tilespmem:v19+s20+$0x0] =	vst.idx.msk $0xffff, v61  }
0xe0: {  	[tilespmem:v21+s20+$0x0] =	vst.idx.msk $0xffff, v62  }
0xe1: {  	[tilespmem:v17+s20+$0x0] =	vst.idx.msk $0xffff, v63  }
0xe2: {  	v12 =	vld [tilespmem:$0xED80];
	_ =	sdelay $0x4  }
0xe3: {  	v13 =	vshll.u32 v12, $0x1  }
0xe4: {  	v12 =	vand.u32 $0x7, v12;
	v13 =	vand.u32 $0xFFFFFFF0, v13  }
0xe5: {  	v56 =	vand.u32 $0x7, v0;
	v14 =	vshrl.u32 v0, $0x3;
	v12 =	vor.u32 v12, v13  }
0xe6: {  	v14 =	vmul.u32 $0x8, v14;
	v15 =	vperm.xlane v12, v56  }
0xe7: {  	v16 =	vor.u32 $0x8, v0  }
0xe8: {  	v12 =	vperm.xlane v12, v16;
	v15 =	vadd.s32 v14, v15;
	_ =	sdelay $0x1  }
0xe9: {  	v12 =	vadd.s32 v14, v12;
	_ =	sdelay $0x1  }
0xea: {  	vm0 =	vmmov $0xffff  }
0xeb: {  	[hbm4b:s4+s3] =	stream.indirect_vreg.scatter [tilespmem:s20], [sflag:$0x1], $0x80, v15, vm0, $0xb8;
	[tilespmem:$0xEE00] =	vst v63  }
0xec: {  	s0 =	simm.s32 $0x7580  }
0xed: {  	[hbm4b:s4+s3] =	stream.indirect_vreg.scatter [tilespmem:s0], [sflag:$0x1], $0x80, v12, vm0, $0xb8;
	[tilespmem:$0xEE00] =	vst v63  }
0xee: {  	v12 =	vld [tilespmem:$0xED90];
	_ =	sdelay $0x4  }
0xef: {  	v57 =	vshll.u32 v12, $0x1  }
0xf0: {  	v12 =	vand.u32 $0x7, v12;
	v15 =	vand.u32 $0xFFFFFFF0, v57  }
0xf1: {  	v12 =	vor.u32 v12, v15  }
0xf2: {  	v15 =	vperm.xlane v12, v56;
	_ =	sdelay $0x1  }
0xf3: {  	v12 =	vperm.xlane v12, v16;
	v15 =	vadd.s32 v14, v15;
	_ =	sdelay $0x1  }
0xf4: {  	v12 =	vadd.s32 v14, v12;
	_ =	sdelay $0x1  }
0xf5: {  	s2 =	simm.s32 $0x7D80  }
0xf6: {  	[hbm4b:s4+s3] =	stream.indirect_vreg.scatter [tilespmem:s2], [sflag:$0x1], $0x80, v15, vm0, $0xb8;
	[tilespmem:$0xEE00] =	vst v63  }
0xf7: {  	s5 =	simm.s32 $0x8580  }
0xf8: {  	[hbm4b:s4+s3] =	stream.indirect_vreg.scatter [tilespmem:s5], [sflag:$0x1], $0x80, v12, vm0, $0xb8;
	[tilespmem:$0xEE00] =	vst v63  }
0xf9: {  	v12 =	vld [tilespmem:$0xEDA0];
	_ =	sdelay $0x4  }
0xfa: {  	v58 =	vshll.u32 v12, $0x1  }
0xfb: {  	v12 =	vand.u32 $0x7, v12;
	v15 =	vand.u32 $0xFFFFFFF0, v58  }
0xfc: {  	v12 =	vor.u32 v12, v15  }
0xfd: {  	v15 =	vperm.xlane v12, v56;
	_ =	sdelay $0x1  }
0xfe: {  	v12 =	vperm.xlane v12, v16;
	v15 =	vadd.s32 v14, v15;
	_ =	sdelay $0x1  }
0xff: {  	v12 =	vadd.s32 v14, v12;
	_ =	sdelay $0x1  }
0x100: {  	s6 =	simm.s32 $0x8D80  }
0x101: {  	[hbm4b:s4+s3] =	stream.indirect_vreg.scatter [tilespmem:s6], [sflag:$0x1], $0x80, v15, vm0, $0xb8;
	[tilespmem:$0xEE00] =	vst v63  }
0x102: {  	s7 =	simm.s32 $0x9580  }
0x103: {  	[hbm4b:s4+s3] =	stream.indirect_vreg.scatter [tilespmem:s7], [sflag:$0x1], $0x80, v12, vm0, $0xb8;
	[tilespmem:$0xEE00] =	vst v63  }
0x104: {  	v12 =	vld [tilespmem:$0xEDB0];
	_ =	sdelay $0x4  }
0x105: {  	v59 =	vshll.u32 v12, $0x1  }
0x106: {  	v12 =	vand.u32 $0x7, v12;
	v15 =	vand.u32 $0xFFFFFFF0, v59  }
0x107: {  	v12 =	vor.u32 v12, v15  }
0x108: {  	v15 =	vperm.xlane v12, v56;
	_ =	sdelay $0x1  }
0x109: {  	v12 =	vperm.xlane v12, v16;
	v15 =	vadd.s32 v14, v15;
	_ =	sdelay $0x1  }
0x10a: {  	v12 =	vadd.s32 v14, v12;
	_ =	sdelay $0x1  }
0x10b: {  	s8 =	simm.s32 $0x9D80  }
0x10c: {  	[hbm4b:s4+s3] =	stream.indirect_vreg.scatter [tilespmem:s8], [sflag:$0x1], $0x80, v15, vm0, $0xb8;
	[tilespmem:$0xEE00] =	vst v63  }
0x10d: {  	s9 =	simm.s32 $0xA580  }
0x10e: {  	[hbm4b:s4+s3] =	stream.indirect_vreg.scatter [tilespmem:s9], [sflag:$0x1], $0x80, v12, vm0, $0xb8;
	[tilespmem:$0xEE00] =	vst v63  }
0x10f: {  	v12 =	vld [tilespmem:$0xEDC0];
	_ =	sdelay $0x4  }
0x110: {  	v60 =	vshll.u32 v12, $0x1  }
0x111: {  	v12 =	vand.u32 $0x7, v12;
	v15 =	vand.u32 $0xFFFFFFF0, v60  }
0x112: {  	v12 =	vor.u32 v12, v15  }
0x113: {  	v15 =	vperm.xlane v12, v56;
	_ =	sdelay $0x1  }
0x114: {  	v12 =	vperm.xlane v12, v16;
	v15 =	vadd.s32 v14, v15;
	_ =	sdelay $0x1  }
0x115: {  	v12 =	vadd.s32 v14, v12;
	_ =	sdelay $0x1  }
0x116: {  	s21 =	simm.s32 $0xAD80  }
0x117: {  	[hbm4b:s4+s3] =	stream.indirect_vreg.scatter [tilespmem:s21], [sflag:$0x1], $0x80, v15, vm0, $0xb8;
	[tilespmem:$0xEE00] =	vst v63  }
0x118: {  	s22 =	simm.s32 $0xB580  }
0x119: {  	[hbm4b:s4+s3] =	stream.indirect_vreg.scatter [tilespmem:s22], [sflag:$0x1], $0x80, v12, vm0, $0xb8;
	[tilespmem:$0xEE00] =	vst v63  }
0x11a: {  	v12 =	vld [tilespmem:$0xEDD0];
	_ =	sdelay $0x4  }
0x11b: {  	v61 =	vshll.u32 v12, $0x1  }
0x11c: {  	v12 =	vand.u32 $0x7, v12;
	v15 =	vand.u32 $0xFFFFFFF0, v61  }
0x11d: {  	v12 =	vor.u32 v12, v15  }
0x11e: {  	v15 =	vperm.xlane v12, v56;
	_ =	sdelay $0x1  }
0x11f: {  	v12 =	vperm.xlane v12, v16;
	v15 =	vadd.s32 v14, v15;
	_ =	sdelay $0x1  }
0x120: {  	v12 =	vadd.s32 v14, v12;
	_ =	sdelay $0x1  }
0x121: {  	s23 =	simm.s32 $0xBD80  }
0x122: {  	[hbm4b:s4+s3] =	stream.indirect_vreg.scatter [tilespmem:s23], [sflag:$0x1], $0x80, v15, vm0, $0xb8;
	[tilespmem:$0xEE00] =	vst v63  }
0x123: {  	s26 =	simm.s32 $0xC580  }
0x124: {  	[hbm4b:s4+s3] =	stream.indirect_vreg.scatter [tilespmem:s26], [sflag:$0x1], $0x80, v12, vm0, $0xb8;
	[tilespmem:$0xEE00] =	vst v63  }
0x125: {  	v12 =	vld [tilespmem:$0xEDE0];
	_ =	sdelay $0x4  }
0x126: {  	v62 =	vshll.u32 v12, $0x1  }
0x127: {  	v12 =	vand.u32 $0x7, v12;
	v15 =	vand.u32 $0xFFFFFFF0, v62  }
0x128: {  	v12 =	vor.u32 v12, v15  }
0x129: {  	v15 =	vperm.xlane v12, v56;
	_ =	sdelay $0x1  }
0x12a: {  	v12 =	vperm.xlane v12, v16;
	v15 =	vadd.s32 v14, v15;
	_ =	sdelay $0x1  }
0x12b: {  	v12 =	vadd.s32 v14, v12;
	_ =	sdelay $0x1  }
0x12c: {  	s28 =	simm.s32 $0xCD80  }
0x12d: {  	[hbm4b:s4+s3] =	stream.indirect_vreg.scatter [tilespmem:s28], [sflag:$0x1], $0x80, v15, vm0, $0xb8;
	[tilespmem:$0xEE00] =	vst v63  }
0x12e: {  	s29 =	simm.s32 $0xD580  }
0x12f: {  	[hbm4b:s4+s3] =	stream.indirect_vreg.scatter [tilespmem:s29], [sflag:$0x1], $0x80, v12, vm0, $0xb8;
	[tilespmem:$0xEE00] =	vst v63  }
0x130: {  	v12 =	vld [tilespmem:$0xEDF0];
	_ =	sdelay $0x4  }
0x131: {  	v63 =	vshll.u32 v12, $0x1  }
0x132: {  	v12 =	vand.u32 $0x7, v12;
	v15 =	vand.u32 $0xFFFFFFF0, v63  }
0x133: {  	v12 =	vor.u32 v12, v15  }
0x134: {  	v13 =	vperm.xlane v12, v56;
	_ =	sdelay $0x1  }
0x135: {  	v12 =	vperm.xlane v12, v16;
	v13 =	vadd.s32 v14, v13;
	_ =	sdelay $0x1  }
0x136: {  	v12 =	vadd.s32 v14, v12  }
0x137: {  	s25 =	sadd.s32 $0x1, s25  }
0x138: {  	s30 =	simm.s32 $0xDD80;
	p0 =	sne.s32 s25, s11  }
0x139: {  	[hbm4b:s4+s3] =	stream.indirect_vreg.scatter [tilespmem:s30], [sflag:$0x1], $0x80, v13, vm0, $0xb8;
	[tilespmem:$0xEE00] =	vst v63  }
.Ltmp2:
0x13a: {  	s31 =	simm.s32 $0xE580;
	(pc) =	sbr.rel @p0 .LBB2_1-.Ltmp2, $4  }
0x13b: {  	[hbm4b:s4+s3] =	stream.indirect_vreg.scatter [tilespmem:s31], [sflag:$0x1], $0x80, v12, vm0, $0xb8;
	[tilespmem:$0xEE00] =	vst v63  }
0x13c: {  	_ =	swait.ge [sflag:s24], $0x8000  }
0x13d: {  	[sflag:s24] =	ssyncset.done $0x0  }
0x13e: {  	[sflag:s24] =	ssyncadd.s32 $0xFFFF8000  }
0x13f: {  	_ =	sfence.sel $0x180000  }
0x140: {  	[bflag:$0x0] =	sbarrier.arrive $0xFFFF  }
0x141: {  	_ =	strace $0x90000047  }
0x142: {  	s0 =	stileid.u32;
	[bflag:$0x2] =	sbarrier.arrive $0xFFFF  }
0x143: {  	p0 =	sne.s32 s0, $0x0;
	s0 =	rddreg [dreg:$0x2]  }
0x144: {  	s0 =	sadd.s32 @!p0 $0x100000, s0  }
0x145: {  	[sflag:s0] =	ssyncadd.tile.s32 @!p0 $0x1;
	_ =	shalt  }
.Lfunc_end2:
_tile_overlayer_lowered:
.L_overlay_start_2:
0x146: {  	(tag) =	ssettag $0x2  }
0x147: {  	s0 =	rddreg [dreg:$0x0];
	s2 =	stileid.u32  }
0x148: {  	s1 =	rddreg [dreg:$0x1];
	p0 =	sne.s32 s2, $0x0  }
0x149: {  	s3 =	rddreg [dreg:$0x2];
	[bflag:$0x3] =	sbarrier.arrive $0xFFFF;
	s2 =	simm.s32 @!p0 $0x1C02  }
0x14a: {  	[timem:s3], [sflag:s2] =	dma.local @!p0 [hbm:s0], s1  }
0x14b: {  	s0 =	simm.s32 @!p0 $0x2  }
0x14c: {  	_ =	swait.ge @!p0 [sflag:s0], s1  }
0x14d: {  	s1 =	ssub.s32 @!p0 $0x0, s1;
	[sflag:s0] =	ssyncset.done @!p0 $0x0  }
0x14e: {  	[sflag:s0] =	ssyncadd.s32 @!p0 s1  }
0x14f: {  	[bflag:$0x3] =	sbarrier.arrive $0xFFFF  }
0x150: {  	_ =	shalt  }

</sc_bundles>
